<compile_context>
chip_gen: v7x
topology: tpu7x:2x2x1
jax: 0.10.2.dev20260603
libtpu: 0.0.44.dev20260713+nightly
codegen_flags: <defaults>
</compile_context>

<pallas_src>
import functools

import jax
import jax.numpy as jnp
from jax import lax
from jax.experimental import pallas as pl
from jax.experimental.pallas import tpu as pltpu
from jax.experimental.pallas import tpu_sc as plsc

_NUM_CORES = 2
_NUM_SUBCORES = 16
_NUM_WORKERS = _NUM_CORES * _NUM_SUBCORES

_CHUNK = 1600
_BC = 128
_SUB = 8


@functools.cache
def _sc_gather(n: int, v: int, d: int):
    assert n % (_NUM_WORKERS * _CHUNK) == 0
    per_worker = n // _NUM_WORKERS
    n_chunks = per_worker // _CHUNK
    assert n_chunks % 2 == 0 and n_chunks >= 4
    mesh = plsc.VectorSubcoreMesh(core_axis_name="c", subcore_axis_name="s")

    def body(idx_hbm, table_hbm, out_hbm, idx_v, rows_v, sem_l, sem_g, sem_s):
        wid = lax.axis_index("s") * _NUM_CORES + lax.axis_index("c")
        base = wid * per_worker

        def l_copy(i, b):
            return pltpu.make_async_copy(
                idx_hbm.at[pl.ds(base + i * _CHUNK, _CHUNK)],
                idx_v.at[b], sem_l.at[b])

        def g_copy(b):
            return pltpu.make_async_copy(
                table_hbm.at[idx_v.at[b]], rows_v.at[b], sem_g.at[b])

        def s_copy(i, b):
            return pltpu.make_async_copy(
                rows_v.at[b],
                out_hbm.at[pl.ds(base + i * _CHUNK, _CHUNK)], sem_s.at[b])

        l_copy(0, 0).start()
        l_copy(1, 1).start()
        l_copy(0, 0).wait()
        g_copy(0).start()
        g_copy(0).wait()
        s_copy(0, 0).start()
        l_copy(2, 0).start()
        l_copy(1, 1).wait()
        g_copy(1).start()

        def steady(j, carry):
            i0 = 2 * j
            i1 = i0 + 1
            g_copy(1).wait()
            s_copy(i0 - 1, 1).start()
            l_copy(i0 + 1, 1).start()
            l_copy(i0, 0).wait()
            s_copy(i0 - 2, 0).wait()
            g_copy(0).start()
            g_copy(0).wait()
            s_copy(i0, 0).start()
            l_copy(i1 + 1, 0).start()
            l_copy(i1, 1).wait()
            s_copy(i1 - 2, 1).wait()
            g_copy(1).start()
            return carry

        lax.fori_loop(1, n_chunks // 2, steady, 0)

        last = n_chunks - 1
        g_copy(1).wait()
        s_copy(last, 1).start()
        l_copy(n_chunks, 0).wait()
        s_copy(last - 1, 0).wait()
        s_copy(last, 1).wait()

    return pl.kernel(
        body,
        out_type=jax.ShapeDtypeStruct((n, d), jnp.float32),
        mesh=mesh,
        scratch_types=[
            pltpu.VMEM((2, _CHUNK), jnp.int32),
            pltpu.VMEM((2, _CHUNK, d), jnp.float32),
            pltpu.SemaphoreType.DMA((2,)),
            pltpu.SemaphoreType.DMA((2,)),
            pltpu.SemaphoreType.DMA((2,)),
        ],
        compiler_params=pltpu.CompilerParams(use_tc_tiling_on_sc=False),
    )


@functools.cache
def _tc_transpose(b: int, h: int, d: int):
    n_j = b // _BC
    h4 = h // 4
    n_g = d // _SUB
    in_rows = b * h4

    def body(x_ref, o_ref):
        lanes = lax.broadcasted_iota(jnp.int32, (_BC, _BC), 0)
        cols = lax.broadcasted_iota(jnp.int32, (_BC, _BC), 1)
        eye = (lanes == cols).astype(jnp.float32)
        x3 = x_ref[...].reshape(_BC, h4, _BC)
        for hg in range(h4):
            xm = x3[:, hg, :]
            t = lax.dot_general(
                xm, eye, (((0,), (0,)), ((), ())),
                preferred_element_type=jnp.float32)
            o_ref[hg] = t.reshape(4, n_g, 1, _SUB, _BC)

    grid_spec = pl.GridSpec(
        grid=(n_j,),
        in_specs=[
            pl.BlockSpec((_BC * h4, _BC), lambda j: (j, 0)),
        ],
        out_specs=pl.BlockSpec(
            (h4, 4, n_g, 1, _SUB, _BC), lambda j: (0, 0, 0, j, 0, 0)),
    )
    return pl.pallas_call(
        body,
        grid_spec=grid_spec,
        out_shape=jax.ShapeDtypeStruct(
            (h4, 4, n_g, n_j, _SUB, _BC), jnp.float32),
    )


def kernel(x, embedding):
    b, h = x.shape
    v, d = embedding.shape
    n = b * h
    idx = x.reshape(n).astype(jnp.int32)
    idx = jnp.concatenate([idx, jnp.zeros((_CHUNK,), jnp.int32)])
    rows = _sc_gather(n, v, d)(idx, embedding)
    p = _tc_transpose(b, h, d)(rows.reshape(b * (h // 4), 4 * d))
    p = p.reshape(h, d // _SUB, b // _BC, _SUB, _BC)
    return p.transpose(2, 4, 0, 1, 3).reshape(b, h, d)

# --- scband reference (transcript-rebuilt; emitter-appended) ---
"""Pipeline reference for scband-custom-embedding-22634477650043 (READ-ONLY COPY).

The authoritative reference and input builder live on the scoring server;
editing this copy changes nothing except your own understanding.
"""

import jax, jax.numpy as jnp
import numpy as np

VOCAB_SIZE = 1000000
D_MODEL = 32
BATCH = 16384
HIST_LEN = 200

def setup_inputs(seed: int = 0) -> dict:
    key = jax.random.key(seed)
    k_idx, k_emb = jax.random.split(key)
    x = jax.random.randint(k_idx, (BATCH, HIST_LEN), 0, VOCAB_SIZE, dtype=jnp.int64 if jax.config.jax_enable_x64 else jnp.int32)
    embedding = jax.random.normal(k_emb, (VOCAB_SIZE, D_MODEL), dtype=jnp.float32)
    return {"x": x, "embedding": embedding}

def reference(x, embedding):
    # Faithful translation of: return self.embedding[x]
    return jnp.take(embedding, x, axis=0)

if __name__ == "__main__":
    import jax
    _d = setup_inputs()
    print(jax.jit(kernel)(*tuple(_d.values())))

</pallas_src>

<mosaic_0001>
#map = affine_map<(d0, d1) -> (0)>
#map1 = affine_map<(d0, d1) -> (0, 0)>
module attributes {stable_mosaic.version = 14 : i64} {
  func.func @body(%arg0: i32, %arg1: i32, %arg2: memref<3278400xi32, #tpu.memory_space<hbm>>, %arg3: memref<1000000x32xf32, #tpu.memory_space<hbm>>, %arg4: memref<3276800x32xf32, #tpu.memory_space<hbm>>, %arg5: memref<2x1600xi32, #tpu.memory_space<vmem>>, %arg6: memref<2x1600x32xf32, #tpu.memory_space<vmem>>, %arg7: memref<2x!tpu.dma_semaphore, #tpu.memory_space<semaphore_mem>>, %arg8: memref<2x!tpu.dma_semaphore, #tpu.memory_space<semaphore_mem>>, %arg9: memref<2x!tpu.dma_semaphore, #tpu.memory_space<semaphore_mem>>) attributes {dimension_semantics = [#tpu.dimension_semantics<core_parallel>, #tpu.dimension_semantics<subcore_parallel>], iteration_bounds = array<i64: 2, 16>, scalar_prefetch = 0 : i64, scratch_operands = 5 : i64, tpu.core_type = #tpu.core_type<sc_vector_subcore>, window_params = [{transform_indices = #map}, {transform_indices = #map1}, {transform_indices = #map1}]} {
    %mul3A = arith.constant 2 : i32
    %mul3A_0 = arith.muli %arg1, %mul3A : i32
    %add3A = arith.addi %mul3A_0, %arg0 : i32
    %mul3A_1 = arith.constant 102400 : i32
    %mul3A_2 = arith.muli %add3A, %mul3A_1 : i32
    %add3A_3 = arith.constant 0 : i32
    %add3A_4 = arith.addi %mul3A_2, %add3A_3 : i32
    %dma_start3A = arith.constant 0 : i32
    %dma_start3A_5 = arith.constant 0 : i32
    %dma_start3A_6 = arith.constant 0 : i32
    %dma_start3A_7 = tpu.memref_slice %arg5[%dma_start3A, %dma_start3A_6] : memref<2x1600xi32, #tpu.memory_space<vmem>> -> memref<1x1600xi32, #tpu.memory_space<vmem>>
    %dma_start3A_8 = tpu.memref_squeeze %dma_start3A_7 : memref<1x1600xi32, #tpu.memory_space<vmem>> -> memref<1600xi32, #tpu.memory_space<vmem>>
    %dma_start3A_9 = tpu.memref_slice %arg2[%add3A_4] : memref<3278400xi32, #tpu.memory_space<hbm>> -> memref<1600xi32, #tpu.memory_space<hbm>>
    %dma_start3A_10 = tpu.memref_slice %arg7[%dma_start3A_5] : memref<2x!tpu.dma_semaphore, #tpu.memory_space<semaphore_mem>> -> memref<1x!tpu.dma_semaphore, #tpu.memory_space<semaphore_mem>>
    %dma_start3A_11 = tpu.memref_squeeze %dma_start3A_10 : memref<1x!tpu.dma_semaphore, #tpu.memory_space<semaphore_mem>> -> memref<!tpu.dma_semaphore, #tpu.memory_space<semaphore_mem>>
    %dma_start3A_12 = arith.constant 0 : i32
    %dma_start3A_13 = tpu.memref_slice %arg5[%dma_start3A, %dma_start3A_12] : memref<2x1600xi32, #tpu.memory_space<vmem>> -> memref<1x1600xi32, #tpu.memory_space<vmem>>
    %dma_start3A_14 = tpu.memref_squeeze %dma_start3A_13 : memref<1x1600xi32, #tpu.memory_space<vmem>> -> memref<1600xi32, #tpu.memory_space<vmem>>
    %dma_start3A_15 = tpu.memref_slice %arg2[%add3A_4] : memref<3278400xi32, #tpu.memory_space<hbm>> -> memref<1600xi32, #tpu.memory_space<hbm>>
    tpu.enqueue_dma source(%dma_start3A_15 : memref<1600xi32, #tpu.memory_space<hbm>>) target(%dma_start3A_14 : memref<1600xi32, #tpu.memory_space<vmem>>) target_semaphore(%dma_start3A_11 : memref<!tpu.dma_semaphore, #tpu.memory_space<semaphore_mem>>)
    %add3A_16 = arith.constant 1600 : i32
    %add3A_17 = arith.addi %mul3A_2, %add3A_16 : i32
    %dma_start3A_18 = arith.constant 1 : i32
    %dma_start3A_19 = arith.constant 1 : i32
    %dma_start3A_20 = arith.constant 0 : i32
    %dma_start3A_21 = tpu.memref_slice %arg5[%dma_start3A_18, %dma_start3A_20] : memref<2x1600xi32, #tpu.memory_space<vmem>> -> memref<1x1600xi32, #tpu.memory_space<vmem>>
    %dma_start3A_22 = tpu.memref_squeeze %dma_start3A_21 : memref<1x1600xi32, #tpu.memory_space<vmem>> -> memref<1600xi32, #tpu.memory_space<vmem>>
    %dma_start3A_23 = tpu.memref_slice %arg2[%add3A_17] : memref<3278400xi32, #tpu.memory_space<hbm>> -> memref<1600xi32, #tpu.memory_space<hbm>>
    %dma_start3A_24 = tpu.memref_slice %arg7[%dma_start3A_19] : memref<2x!tpu.dma_semaphore, #tpu.memory_space<semaphore_mem>> -> memref<1x!tpu.dma_semaphore, #tpu.memory_space<semaphore_mem>>
    %dma_start3A_25 = tpu.memref_squeeze %dma_start3A_24 : memref<1x!tpu.dma_semaphore, #tpu.memory_space<semaphore_mem>> -> memref<!tpu.dma_semaphore, #tpu.memory_space<semaphore_mem>>
    %dma_start3A_26 = arith.constant 0 : i32
    %dma_start3A_27 = tpu.memref_slice %arg5[%dma_start3A_18, %dma_start3A_26] : memref<2x1600xi32, #tpu.memory_space<vmem>> -> memref<1x1600xi32, #tpu.memory_space<vmem>>
    %dma_start3A_28 = tpu.memref_squeeze %dma_start3A_27 : memref<1x1600xi32, #tpu.memory_space<vmem>> -> memref<1600xi32, #tpu.memory_space<vmem>>
    %dma_start3A_29 = tpu.memref_slice %arg2[%add3A_17] : memref<3278400xi32, #tpu.memory_space<hbm>> -> memref<1600xi32, #tpu.memory_space<hbm>>
    tpu.enqueue_dma source(%dma_start3A_29 : memref<1600xi32, #tpu.memory_space<hbm>>) target(%dma_start3A_28 : memref<1600xi32, #tpu.memory_space<vmem>>) target_semaphore(%dma_start3A_25 : memref<!tpu.dma_semaphore, #tpu.memory_space<semaphore_mem>>)
    %add3A_30 = arith.constant 0 : i32
    %add3A_31 = arith.addi %mul3A_2, %add3A_30 : i32
    %dma_wait3A = arith.constant 0 : i32
    %dma_wait3A_32 = arith.constant 0 : i32
    %dma_wait3A_33 = arith.constant 0 : i32
    %dma_wait3A_34 = tpu.memref_slice %arg5[%dma_wait3A, %dma_wait3A_33] : memref<2x1600xi32, #tpu.memory_space<vmem>> -> memref<1x1600xi32, #tpu.memory_space<vmem>>
    %dma_wait3A_35 = tpu.memref_squeeze %dma_wait3A_34 : memref<1x1600xi32, #tpu.memory_space<vmem>> -> memref<1600xi32, #tpu.memory_space<vmem>>
    %dma_wait3A_36 = tpu.memref_slice %arg2[%add3A_31] : memref<3278400xi32, #tpu.memory_space<hbm>> -> memref<1600xi32, #tpu.memory_space<hbm>>
    %dma_wait3A_37 = tpu.memref_slice %arg7[%dma_wait3A_32] : memref<2x!tpu.dma_semaphore, #tpu.memory_space<semaphore_mem>> -> memref<1x!tpu.dma_semaphore, #tpu.memory_space<semaphore_mem>>
    %dma_wait3A_38 = tpu.memref_squeeze %dma_wait3A_37 : memref<1x!tpu.dma_semaphore, #tpu.memory_space<semaphore_mem>> -> memref<!tpu.dma_semaphore, #tpu.memory_space<semaphore_mem>>
    %dma_wait3A_39 = arith.constant 0 : i32
    %dma_wait3A_40 = tpu.memref_slice %arg5[%dma_wait3A, %dma_wait3A_39] : memref<2x1600xi32, #tpu.memory_space<vmem>> -> memref<1x1600xi32, #tpu.memory_space<vmem>>
    %dma_wait3A_41 = tpu.memref_squeeze %dma_wait3A_40 : memref<1x1600xi32, #tpu.memory_space<vmem>> -> memref<1600xi32, #tpu.memory_space<vmem>>
    %dma_wait3A_42 = tpu.memref_slice %arg2[%add3A_31] : memref<3278400xi32, #tpu.memory_space<hbm>> -> memref<1600xi32, #tpu.memory_space<hbm>>
    tpu.wait_dma2 semaphore(%dma_wait3A_38 : memref<!tpu.dma_semaphore, #tpu.memory_space<semaphore_mem>>) src(%dma_wait3A_42 : memref<1600xi32, #tpu.memory_space<hbm>>) dst(%dma_wait3A_41 : memref<1600xi32, #tpu.memory_space<vmem>>)
    %dma_start3A_43 = arith.constant 0 : i32
    %dma_start3A_44 = arith.constant 0 : i32
    %dma_start3A_45 = arith.constant 0 : i32
    %dma_start3A_46 = arith.constant 0 : i32
    %dma_start3A_47 = arith.constant 0 : i32
    %dma_start3A_48 = tpu.memref_slice %arg6[%dma_start3A_44, %dma_start3A_46, %dma_start3A_47] : memref<2x1600x32xf32, #tpu.memory_space<vmem>> -> memref<1x1600x32xf32, #tpu.memory_space<vmem>>
    %dma_start3A_49 = tpu.memref_squeeze %dma_start3A_48 : memref<1x1600x32xf32, #tpu.memory_space<vmem>> -> memref<1600x32xf32, #tpu.memory_space<vmem>>
    %dma_start3A_50 = arith.constant 0 : i32
    %dma_start3A_51 = tpu.memref_slice %arg5[%dma_start3A_43, %dma_start3A_50] : memref<2x1600xi32, #tpu.memory_space<vmem>> -> memref<1x1600xi32, #tpu.memory_space<vmem>>
    %dma_start3A_52 = tpu.memref_squeeze %dma_start3A_51 : memref<1x1600xi32, #tpu.memory_space<vmem>> -> memref<1600xi32, #tpu.memory_space<vmem>>
    %dma_start3A_53 = arith.constant 0 : i32
    %dma_start3A_54 = arith.constant 0 : i32
    %dma_start3A_55 = tpu.memref_slice %arg3[%dma_start3A_53, %dma_start3A_54] : memref<1000000x32xf32, #tpu.memory_space<hbm>> -> memref<1000000x32xf32, #tpu.memory_space<hbm>>
    %dma_start3A_56 = tpu.memref_slice %arg8[%dma_start3A_45] : memref<2x!tpu.dma_semaphore, #tpu.memory_space<semaphore_mem>> -> memref<1x!tpu.dma_semaphore, #tpu.memory_space<semaphore_mem>>
    %dma_start3A_57 = tpu.memref_squeeze %dma_start3A_56 : memref<1x!tpu.dma_semaphore, #tpu.memory_space<semaphore_mem>> -> memref<!tpu.dma_semaphore, #tpu.memory_space<semaphore_mem>>
    tpu.enqueue_indirect_dma source(%dma_start3A_55 : memref<1000000x32xf32, #tpu.memory_space<hbm>>) target(%dma_start3A_49 : memref<1600x32xf32, #tpu.memory_space<vmem>>) offsets(%dma_start3A_52 : memref<1600xi32, #tpu.memory_space<vmem>>) semaphore(%dma_start3A_57 : memref<!tpu.dma_semaphore, #tpu.memory_space<semaphore_mem>>)
    %dma_wait3A_58 = arith.constant 0 : i32
    %dma_wait3A_59 = arith.constant 0 : i32
    %dma_wait3A_60 = arith.constant 0 : i32
    %dma_wait3A_61 = arith.constant 0 : i32
    %dma_wait3A_62 = arith.constant 0 : i32
    %dma_wait3A_63 = tpu.memref_slice %arg6[%dma_wait3A_59, %dma_wait3A_61, %dma_wait3A_62] : memref<2x1600x32xf32, #tpu.memory_space<vmem>> -> memref<1x1600x32xf32, #tpu.memory_space<vmem>>
    %dma_wait3A_64 = tpu.memref_squeeze %dma_wait3A_63 : memref<1x1600x32xf32, #tpu.memory_space<vmem>> -> memref<1600x32xf32, #tpu.memory_space<vmem>>
    %dma_wait3A_65 = arith.constant 0 : i32
    %dma_wait3A_66 = tpu.memref_slice %arg5[%dma_wait3A_58, %dma_wait3A_65] : memref<2x1600xi32, #tpu.memory_space<vmem>> -> memref<1x1600xi32, #tpu.memory_space<vmem>>
    %dma_wait3A_67 = tpu.memref_squeeze %dma_wait3A_66 : memref<1x1600xi32, #tpu.memory_space<vmem>> -> memref<1600xi32, #tpu.memory_space<vmem>>
    %dma_wait3A_68 = arith.constant 0 : i32
    %dma_wait3A_69 = arith.constant 0 : i32
    %dma_wait3A_70 = tpu.memref_slice %arg3[%dma_wait3A_68, %dma_wait3A_69] : memref<1000000x32xf32, #tpu.memory_space<hbm>> -> memref<1000000x32xf32, #tpu.memory_space<hbm>>
    %dma_wait3A_71 = tpu.memref_slice %arg8[%dma_wait3A_60] : memref<2x!tpu.dma_semaphore, #tpu.memory_space<semaphore_mem>> -> memref<1x!tpu.dma_semaphore, #tpu.memory_space<semaphore_mem>>
    %dma_wait3A_72 = tpu.memref_squeeze %dma_wait3A_71 : memref<1x!tpu.dma_semaphore, #tpu.memory_space<semaphore_mem>> -> memref<!tpu.dma_semaphore, #tpu.memory_space<semaphore_mem>>
    tpu.wait_indirect_dma semaphore(%dma_wait3A_72 : memref<!tpu.dma_semaphore, #tpu.memory_space<semaphore_mem>>) src(%dma_wait3A_70 : memref<1000000x32xf32, #tpu.memory_space<hbm>>) dst(%dma_wait3A_64 : memref<1600x32xf32, #tpu.memory_space<vmem>>)
    %add3A_73 = arith.constant 0 : i32
    %add3A_74 = arith.addi %mul3A_2, %add3A_73 : i32
    %dma_start3A_75 = arith.constant 0 : i32
    %dma_start3A_76 = arith.constant 0 : i32
    %dma_start3A_77 = arith.constant 0 : i32
    %dma_start3A_78 = arith.constant 0 : i32
    %dma_start3A_79 = tpu.memref_slice %arg6[%dma_start3A_75, %dma_start3A_77, %dma_start3A_78] : memref<2x1600x32xf32, #tpu.memory_space<vmem>> -> memref<1x1600x32xf32, #tpu.memory_space<vmem>>
    %dma_start3A_80 = tpu.memref_squeeze %dma_start3A_79 : memref<1x1600x32xf32, #tpu.memory_space<vmem>> -> memref<1600x32xf32, #tpu.memory_space<vmem>>
    %dma_start3A_81 = arith.constant 0 : i32
    %dma_start3A_82 = tpu.memref_slice %arg4[%add3A_74, %dma_start3A_81] : memref<3276800x32xf32, #tpu.memory_space<hbm>> -> memref<1600x32xf32, #tpu.memory_space<hbm>>
    %dma_start3A_83 = tpu.memref_slice %arg9[%dma_start3A_76] : memref<2x!tpu.dma_semaphore, #tpu.memory_space<semaphore_mem>> -> memref<1x!tpu.dma_semaphore, #tpu.memory_space<semaphore_mem>>
    %dma_start3A_84 = tpu.memref_squeeze %dma_start3A_83 : memref<1x!tpu.dma_semaphore, #tpu.memory_space<semaphore_mem>> -> memref<!tpu.dma_semaphore, #tpu.memory_space<semaphore_mem>>
    %dma_start3A_85 = arith.constant 0 : i32
    %dma_start3A_86 = tpu.memref_slice %arg4[%add3A_74, %dma_start3A_85] : memref<3276800x32xf32, #tpu.memory_space<hbm>> -> memref<1600x32xf32, #tpu.memory_space<hbm>>
    %dma_start3A_87 = arith.constant 0 : i32
    %dma_start3A_88 = arith.constant 0 : i32
    %dma_start3A_89 = tpu.memref_slice %arg6[%dma_start3A_75, %dma_start3A_87, %dma_start3A_88] : memref<2x1600x32xf32, #tpu.memory_space<vmem>> -> memref<1x1600x32xf32, #tpu.memory_space<vmem>>
    %dma_start3A_90 = tpu.memref_squeeze %dma_start3A_89 : memref<1x1600x32xf32, #tpu.memory_space<vmem>> -> memref<1600x32xf32, #tpu.memory_space<vmem>>
    tpu.enqueue_dma source(%dma_start3A_90 : memref<1600x32xf32, #tpu.memory_space<vmem>>) target(%dma_start3A_86 : memref<1600x32xf32, #tpu.memory_space<hbm>>) target_semaphore(%dma_start3A_84 : memref<!tpu.dma_semaphore, #tpu.memory_space<semaphore_mem>>)
    %add3A_91 = arith.constant 3200 : i32
    %add3A_92 = arith.addi %mul3A_2, %add3A_91 : i32
    %dma_start3A_93 = arith.constant 0 : i32
    %dma_start3A_94 = arith.constant 0 : i32
    %dma_start3A_95 = arith.constant 0 : i32
    %dma_start3A_96 = tpu.memref_slice %arg5[%dma_start3A_93, %dma_start3A_95] : memref<2x1600xi32, #tpu.memory_space<vmem>> -> memref<1x1600xi32, #tpu.memory_space<vmem>>
    %dma_start3A_97 = tpu.memref_squeeze %dma_start3A_96 : memref<1x1600xi32, #tpu.memory_space<vmem>> -> memref<1600xi32, #tpu.memory_space<vmem>>
    %dma_start3A_98 = tpu.memref_slice %arg2[%add3A_92] : memref<3278400xi32, #tpu.memory_space<hbm>> -> memref<1600xi32, #tpu.memory_space<hbm>>
    %dma_start3A_99 = tpu.memref_slice %arg7[%dma_start3A_94] : memref<2x!tpu.dma_semaphore, #tpu.memory_space<semaphore_mem>> -> memref<1x!tpu.dma_semaphore, #tpu.memory_space<semaphore_mem>>
    %dma_start3A_100 = tpu.memref_squeeze %dma_start3A_99 : memref<1x!tpu.dma_semaphore, #tpu.memory_space<semaphore_mem>> -> memref<!tpu.dma_semaphore, #tpu.memory_space<semaphore_mem>>
    %dma_start3A_101 = arith.constant 0 : i32
    %dma_start3A_102 = tpu.memref_slice %arg5[%dma_start3A_93, %dma_start3A_101] : memref<2x1600xi32, #tpu.memory_space<vmem>> -> memref<1x1600xi32, #tpu.memory_space<vmem>>
    %dma_start3A_103 = tpu.memref_squeeze %dma_start3A_102 : memref<1x1600xi32, #tpu.memory_space<vmem>> -> memref<1600xi32, #tpu.memory_space<vmem>>
    %dma_start3A_104 = tpu.memref_slice %arg2[%add3A_92] : memref<3278400xi32, #tpu.memory_space<hbm>> -> memref<1600xi32, #tpu.memory_space<hbm>>
    tpu.enqueue_dma source(%dma_start3A_104 : memref<1600xi32, #tpu.memory_space<hbm>>) target(%dma_start3A_103 : memref<1600xi32, #tpu.memory_space<vmem>>) target_semaphore(%dma_start3A_100 : memref<!tpu.dma_semaphore, #tpu.memory_space<semaphore_mem>>)
    %add3A_105 = arith.constant 1600 : i32
    %add3A_106 = arith.addi %mul3A_2, %add3A_105 : i32
    %dma_wait3A_107 = arith.constant 1 : i32
    %dma_wait3A_108 = arith.constant 1 : i32
    %dma_wait3A_109 = arith.constant 0 : i32
    %dma_wait3A_110 = tpu.memref_slice %arg5[%dma_wait3A_107, %dma_wait3A_109] : memref<2x1600xi32, #tpu.memory_space<vmem>> -> memref<1x1600xi32, #tpu.memory_space<vmem>>
    %dma_wait3A_111 = tpu.memref_squeeze %dma_wait3A_110 : memref<1x1600xi32, #tpu.memory_space<vmem>> -> memref<1600xi32, #tpu.memory_space<vmem>>
    %dma_wait3A_112 = tpu.memref_slice %arg2[%add3A_106] : memref<3278400xi32, #tpu.memory_space<hbm>> -> memref<1600xi32, #tpu.memory_space<hbm>>
    %dma_wait3A_113 = tpu.memref_slice %arg7[%dma_wait3A_108] : memref<2x!tpu.dma_semaphore, #tpu.memory_space<semaphore_mem>> -> memref<1x!tpu.dma_semaphore, #tpu.memory_space<semaphore_mem>>
    %dma_wait3A_114 = tpu.memref_squeeze %dma_wait3A_113 : memref<1x!tpu.dma_semaphore, #tpu.memory_space<semaphore_mem>> -> memref<!tpu.dma_semaphore, #tpu.memory_space<semaphore_mem>>
    %dma_wait3A_115 = arith.constant 0 : i32
    %dma_wait3A_116 = tpu.memref_slice %arg5[%dma_wait3A_107, %dma_wait3A_115] : memref<2x1600xi32, #tpu.memory_space<vmem>> -> memref<1x1600xi32, #tpu.memory_space<vmem>>
    %dma_wait3A_117 = tpu.memref_squeeze %dma_wait3A_116 : memref<1x1600xi32, #tpu.memory_space<vmem>> -> memref<1600xi32, #tpu.memory_space<vmem>>
    %dma_wait3A_118 = tpu.memref_slice %arg2[%add3A_106] : memref<3278400xi32, #tpu.memory_space<hbm>> -> memref<1600xi32, #tpu.memory_space<hbm>>
    tpu.wait_dma2 semaphore(%dma_wait3A_114 : memref<!tpu.dma_semaphore, #tpu.memory_space<semaphore_mem>>) src(%dma_wait3A_118 : memref<1600xi32, #tpu.memory_space<hbm>>) dst(%dma_wait3A_117 : memref<1600xi32, #tpu.memory_space<vmem>>)
    %dma_start3A_119 = arith.constant 1 : i32
    %dma_start3A_120 = arith.constant 1 : i32
    %dma_start3A_121 = arith.constant 1 : i32
    %dma_start3A_122 = arith.constant 0 : i32
    %dma_start3A_123 = arith.constant 0 : i32
    %dma_start3A_124 = tpu.memref_slice %arg6[%dma_start3A_120, %dma_start3A_122, %dma_start3A_123] : memref<2x1600x32xf32, #tpu.memory_space<vmem>> -> memref<1x1600x32xf32, #tpu.memory_space<vmem>>
    %dma_start3A_125 = tpu.memref_squeeze %dma_start3A_124 : memref<1x1600x32xf32, #tpu.memory_space<vmem>> -> memref<1600x32xf32, #tpu.memory_space<vmem>>
    %dma_start3A_126 = arith.constant 0 : i32
    %dma_start3A_127 = tpu.memref_slice %arg5[%dma_start3A_119, %dma_start3A_126] : memref<2x1600xi32, #tpu.memory_space<vmem>> -> memref<1x1600xi32, #tpu.memory_space<vmem>>
    %dma_start3A_128 = tpu.memref_squeeze %dma_start3A_127 : memref<1x1600xi32, #tpu.memory_space<vmem>> -> memref<1600xi32, #tpu.memory_space<vmem>>
    %dma_start3A_129 = arith.constant 0 : i32
    %dma_start3A_130 = arith.constant 0 : i32
    %dma_start3A_131 = tpu.memref_slice %arg3[%dma_start3A_129, %dma_start3A_130] : memref<1000000x32xf32, #tpu.memory_space<hbm>> -> memref<1000000x32xf32, #tpu.memory_space<hbm>>
    %dma_start3A_132 = tpu.memref_slice %arg8[%dma_start3A_121] : memref<2x!tpu.dma_semaphore, #tpu.memory_space<semaphore_mem>> -> memref<1x!tpu.dma_semaphore, #tpu.memory_space<semaphore_mem>>
    %dma_start3A_133 = tpu.memref_squeeze %dma_start3A_132 : memref<1x!tpu.dma_semaphore, #tpu.memory_space<semaphore_mem>> -> memref<!tpu.dma_semaphore, #tpu.memory_space<semaphore_mem>>
    tpu.enqueue_indirect_dma source(%dma_start3A_131 : memref<1000000x32xf32, #tpu.memory_space<hbm>>) target(%dma_start3A_125 : memref<1600x32xf32, #tpu.memory_space<vmem>>) offsets(%dma_start3A_128 : memref<1600xi32, #tpu.memory_space<vmem>>) semaphore(%dma_start3A_133 : memref<!tpu.dma_semaphore, #tpu.memory_space<semaphore_mem>>)
    %scan3A = arith.constant 0 : i32
    %scan3A_134 = arith.constant 1 : i32
    %scan3A_135 = arith.constant 31 : i32
    %scan3A_136 = arith.addi %scan3A_134, %scan3A_135 : i32
    %scan3A_137 = arith.constant 1 : i32
    scf.for %scan3A_222 = %scan3A_134 to %scan3A_136 step %scan3A_137  : i32 {
      %mul3A_223 = arith.constant 2 : i32
      %mul3A_224 = arith.muli %mul3A_223, %scan3A_222 : i32
      %add3A_225 = arith.constant 1 : i32
      %add3A_226 = arith.addi %mul3A_224, %add3A_225 : i32
      %dma_wait3A_227 = arith.constant 1 : i32
      %dma_wait3A_228 = arith.constant 1 : i32
      %dma_wait3A_229 = arith.constant 1 : i32
      %dma_wait3A_230 = arith.constant 0 : i32
      %dma_wait3A_231 = arith.constant 0 : i32
      %dma_wait3A_232 = tpu.memref_slice %arg6[%dma_wait3A_228, %dma_wait3A_230, %dma_wait3A_231] : memref<2x1600x32xf32, #tpu.memory_space<vmem>> -> memref<1x1600x32xf32, #tpu.memory_space<vmem>>
      %dma_wait3A_233 = tpu.memref_squeeze %dma_wait3A_232 : memref<1x1600x32xf32, #tpu.memory_space<vmem>> -> memref<1600x32xf32, #tpu.memory_space<vmem>>
      %dma_wait3A_234 = arith.constant 0 : i32
      %dma_wait3A_235 = tpu.memref_slice %arg5[%dma_wait3A_227, %dma_wait3A_234] : memref<2x1600xi32, #tpu.memory_space<vmem>> -> memref<1x1600xi32, #tpu.memory_space<vmem>>
      %dma_wait3A_236 = tpu.memref_squeeze %dma_wait3A_235 : memref<1x1600xi32, #tpu.memory_space<vmem>> -> memref<1600xi32, #tpu.memory_space<vmem>>
      %dma_wait3A_237 = arith.constant 0 : i32
      %dma_wait3A_238 = arith.constant 0 : i32
      %dma_wait3A_239 = tpu.memref_slice %arg3[%dma_wait3A_237, %dma_wait3A_238] : memref<1000000x32xf32, #tpu.memory_space<hbm>> -> memref<1000000x32xf32, #tpu.memory_space<hbm>>
      %dma_wait3A_240 = tpu.memref_slice %arg8[%dma_wait3A_229] : memref<2x!tpu.dma_semaphore, #tpu.memory_space<semaphore_mem>> -> memref<1x!tpu.dma_semaphore, #tpu.memory_space<semaphore_mem>>
      %dma_wait3A_241 = tpu.memref_squeeze %dma_wait3A_240 : memref<1x!tpu.dma_semaphore, #tpu.memory_space<semaphore_mem>> -> memref<!tpu.dma_semaphore, #tpu.memory_space<semaphore_mem>>
      tpu.wait_indirect_dma semaphore(%dma_wait3A_241 : memref<!tpu.dma_semaphore, #tpu.memory_space<semaphore_mem>>) src(%dma_wait3A_239 : memref<1000000x32xf32, #tpu.memory_space<hbm>>) dst(%dma_wait3A_233 : memref<1600x32xf32, #tpu.memory_space<vmem>>)
      %sub3A = arith.constant 1 : i32
      %sub3A_242 = arith.subi %mul3A_224, %sub3A : i32
      %mul3A_243 = arith.constant 1600 : i32
      %mul3A_244 = arith.muli %sub3A_242, %mul3A_243 : i32
      %add3A_245 = arith.addi %mul3A_2, %mul3A_244 : i32
      %dma_start3A_246 = arith.constant 1 : i32
      %dma_start3A_247 = arith.constant 1 : i32
      %dma_start3A_248 = arith.constant 0 : i32
      %dma_start3A_249 = arith.constant 0 : i32
      %dma_start3A_250 = tpu.memref_slice %arg6[%dma_start3A_246, %dma_start3A_248, %dma_start3A_249] : memref<2x1600x32xf32, #tpu.memory_space<vmem>> -> memref<1x1600x32xf32, #tpu.memory_space<vmem>>
      %dma_start3A_251 = tpu.memref_squeeze %dma_start3A_250 : memref<1x1600x32xf32, #tpu.memory_space<vmem>> -> memref<1600x32xf32, #tpu.memory_space<vmem>>
      %dma_start3A_252 = arith.constant 0 : i32
      %dma_start3A_253 = tpu.memref_slice %arg4[%add3A_245, %dma_start3A_252] : memref<3276800x32xf32, #tpu.memory_space<hbm>> -> memref<1600x32xf32, #tpu.memory_space<hbm>>
      %dma_start3A_254 = tpu.memref_slice %arg9[%dma_start3A_247] : memref<2x!tpu.dma_semaphore, #tpu.memory_space<semaphore_mem>> -> memref<1x!tpu.dma_semaphore, #tpu.memory_space<semaphore_mem>>
      %dma_start3A_255 = tpu.memref_squeeze %dma_start3A_254 : memref<1x!tpu.dma_semaphore, #tpu.memory_space<semaphore_mem>> -> memref<!tpu.dma_semaphore, #tpu.memory_space<semaphore_mem>>
      %dma_start3A_256 = arith.constant 0 : i32
      %dma_start3A_257 = tpu.memref_slice %arg4[%add3A_245, %dma_start3A_256] : memref<3276800x32xf32, #tpu.memory_space<hbm>> -> memref<1600x32xf32, #tpu.memory_space<hbm>>
      %dma_start3A_258 = arith.constant 0 : i32
      %dma_start3A_259 = arith.constant 0 : i32
      %dma_start3A_260 = tpu.memref_slice %arg6[%dma_start3A_246, %dma_start3A_258, %dma_start3A_259] : memref<2x1600x32xf32, #tpu.memory_space<vmem>> -> memref<1x1600x32xf32, #tpu.memory_space<vmem>>
      %dma_start3A_261 = tpu.memref_squeeze %dma_start3A_260 : memref<1x1600x32xf32, #tpu.memory_space<vmem>> -> memref<1600x32xf32, #tpu.memory_space<vmem>>
      tpu.enqueue_dma source(%dma_start3A_261 : memref<1600x32xf32, #tpu.memory_space<vmem>>) target(%dma_start3A_257 : memref<1600x32xf32, #tpu.memory_space<hbm>>) target_semaphore(%dma_start3A_255 : memref<!tpu.dma_semaphore, #tpu.memory_space<semaphore_mem>>)
      %add3A_262 = arith.constant 1 : i32
      %add3A_263 = arith.addi %mul3A_224, %add3A_262 : i32
      %mul3A_264 = arith.constant 1600 : i32
      %mul3A_265 = arith.muli %add3A_263, %mul3A_264 : i32
      %add3A_266 = arith.addi %mul3A_2, %mul3A_265 : i32
      %dma_start3A_267 = arith.constant 1 : i32
      %dma_start3A_268 = arith.constant 1 : i32
      %dma_start3A_269 = arith.constant 0 : i32
      %dma_start3A_270 = tpu.memref_slice %arg5[%dma_start3A_267, %dma_start3A_269] : memref<2x1600xi32, #tpu.memory_space<vmem>> -> memref<1x1600xi32, #tpu.memory_space<vmem>>
      %dma_start3A_271 = tpu.memref_squeeze %dma_start3A_270 : memref<1x1600xi32, #tpu.memory_space<vmem>> -> memref<1600xi32, #tpu.memory_space<vmem>>
      %dma_start3A_272 = tpu.memref_slice %arg2[%add3A_266] : memref<3278400xi32, #tpu.memory_space<hbm>> -> memref<1600xi32, #tpu.memory_space<hbm>>
      %dma_start3A_273 = tpu.memref_slice %arg7[%dma_start3A_268] : memref<2x!tpu.dma_semaphore, #tpu.memory_space<semaphore_mem>> -> memref<1x!tpu.dma_semaphore, #tpu.memory_space<semaphore_mem>>
      %dma_start3A_274 = tpu.memref_squeeze %dma_start3A_273 : memref<1x!tpu.dma_semaphore, #tpu.memory_space<semaphore_mem>> -> memref<!tpu.dma_semaphore, #tpu.memory_space<semaphore_mem>>
      %dma_start3A_275 = arith.constant 0 : i32
      %dma_start3A_276 = tpu.memref_slice %arg5[%dma_start3A_267, %dma_start3A_275] : memref<2x1600xi32, #tpu.memory_space<vmem>> -> memref<1x1600xi32, #tpu.memory_space<vmem>>
      %dma_start3A_277 = tpu.memref_squeeze %dma_start3A_276 : memref<1x1600xi32, #tpu.memory_space<vmem>> -> memref<1600xi32, #tpu.memory_space<vmem>>
      %dma_start3A_278 = tpu.memref_slice %arg2[%add3A_266] : memref<3278400xi32, #tpu.memory_space<hbm>> -> memref<1600xi32, #tpu.memory_space<hbm>>
      tpu.enqueue_dma source(%dma_start3A_278 : memref<1600xi32, #tpu.memory_space<hbm>>) target(%dma_start3A_277 : memref<1600xi32, #tpu.memory_space<vmem>>) target_semaphore(%dma_start3A_274 : memref<!tpu.dma_semaphore, #tpu.memory_space<semaphore_mem>>)
      %mul3A_279 = arith.constant 1600 : i32
      %mul3A_280 = arith.muli %mul3A_224, %mul3A_279 : i32
      %add3A_281 = arith.addi %mul3A_2, %mul3A_280 : i32
      %dma_wait3A_282 = arith.constant 0 : i32
      %dma_wait3A_283 = arith.constant 0 : i32
      %dma_wait3A_284 = arith.constant 0 : i32
      %dma_wait3A_285 = tpu.memref_slice %arg5[%dma_wait3A_282, %dma_wait3A_284] : memref<2x1600xi32, #tpu.memory_space<vmem>> -> memref<1x1600xi32, #tpu.memory_space<vmem>>
      %dma_wait3A_286 = tpu.memref_squeeze %dma_wait3A_285 : memref<1x1600xi32, #tpu.memory_space<vmem>> -> memref<1600xi32, #tpu.memory_space<vmem>>
      %dma_wait3A_287 = tpu.memref_slice %arg2[%add3A_281] : memref<3278400xi32, #tpu.memory_space<hbm>> -> memref<1600xi32, #tpu.memory_space<hbm>>
      %dma_wait3A_288 = tpu.memref_slice %arg7[%dma_wait3A_283] : memref<2x!tpu.dma_semaphore, #tpu.memory_space<semaphore_mem>> -> memref<1x!tpu.dma_semaphore, #tpu.memory_space<semaphore_mem>>
      %dma_wait3A_289 = tpu.memref_squeeze %dma_wait3A_288 : memref<1x!tpu.dma_semaphore, #tpu.memory_space<semaphore_mem>> -> memref<!tpu.dma_semaphore, #tpu.memory_space<semaphore_mem>>
      %dma_wait3A_290 = arith.constant 0 : i32
      %dma_wait3A_291 = tpu.memref_slice %arg5[%dma_wait3A_282, %dma_wait3A_290] : memref<2x1600xi32, #tpu.memory_space<vmem>> -> memref<1x1600xi32, #tpu.memory_space<vmem>>
      %dma_wait3A_292 = tpu.memref_squeeze %dma_wait3A_291 : memref<1x1600xi32, #tpu.memory_space<vmem>> -> memref<1600xi32, #tpu.memory_space<vmem>>
      %dma_wait3A_293 = tpu.memref_slice %arg2[%add3A_281] : memref<3278400xi32, #tpu.memory_space<hbm>> -> memref<1600xi32, #tpu.memory_space<hbm>>
      tpu.wait_dma2 semaphore(%dma_wait3A_289 : memref<!tpu.dma_semaphore, #tpu.memory_space<semaphore_mem>>) src(%dma_wait3A_293 : memref<1600xi32, #tpu.memory_space<hbm>>) dst(%dma_wait3A_292 : memref<1600xi32, #tpu.memory_space<vmem>>)
      %sub3A_294 = arith.constant 2 : i32
      %sub3A_295 = arith.subi %mul3A_224, %sub3A_294 : i32
      %mul3A_296 = arith.constant 1600 : i32
      %mul3A_297 = arith.muli %sub3A_295, %mul3A_296 : i32
      %add3A_298 = arith.addi %mul3A_2, %mul3A_297 : i32
      %dma_wait3A_299 = arith.constant 0 : i32
      %dma_wait3A_300 = arith.constant 0 : i32
      %dma_wait3A_301 = arith.constant 0 : i32
      %dma_wait3A_302 = arith.constant 0 : i32
      %dma_wait3A_303 = tpu.memref_slice %arg6[%dma_wait3A_299, %dma_wait3A_301, %dma_wait3A_302] : memref<2x1600x32xf32, #tpu.memory_space<vmem>> -> memref<1x1600x32xf32, #tpu.memory_space<vmem>>
      %dma_wait3A_304 = tpu.memref_squeeze %dma_wait3A_303 : memref<1x1600x32xf32, #tpu.memory_space<vmem>> -> memref<1600x32xf32, #tpu.memory_space<vmem>>
      %dma_wait3A_305 = arith.constant 0 : i32
      %dma_wait3A_306 = tpu.memref_slice %arg4[%add3A_298, %dma_wait3A_305] : memref<3276800x32xf32, #tpu.memory_space<hbm>> -> memref<1600x32xf32, #tpu.memory_space<hbm>>
      %dma_wait3A_307 = tpu.memref_slice %arg9[%dma_wait3A_300] : memref<2x!tpu.dma_semaphore, #tpu.memory_space<semaphore_mem>> -> memref<1x!tpu.dma_semaphore, #tpu.memory_space<semaphore_mem>>
      %dma_wait3A_308 = tpu.memref_squeeze %dma_wait3A_307 : memref<1x!tpu.dma_semaphore, #tpu.memory_space<semaphore_mem>> -> memref<!tpu.dma_semaphore, #tpu.memory_space<semaphore_mem>>
      %dma_wait3A_309 = arith.constant 0 : i32
      %dma_wait3A_310 = tpu.memref_slice %arg4[%add3A_298, %dma_wait3A_309] : memref<3276800x32xf32, #tpu.memory_space<hbm>> -> memref<1600x32xf32, #tpu.memory_space<hbm>>
      %dma_wait3A_311 = arith.constant 0 : i32
      %dma_wait3A_312 = arith.constant 0 : i32
      %dma_wait3A_313 = tpu.memref_slice %arg6[%dma_wait3A_299, %dma_wait3A_311, %dma_wait3A_312] : memref<2x1600x32xf32, #tpu.memory_space<vmem>> -> memref<1x1600x32xf32, #tpu.memory_space<vmem>>
      %dma_wait3A_314 = tpu.memref_squeeze %dma_wait3A_313 : memref<1x1600x32xf32, #tpu.memory_space<vmem>> -> memref<1600x32xf32, #tpu.memory_space<vmem>>
      tpu.wait_dma2 semaphore(%dma_wait3A_308 : memref<!tpu.dma_semaphore, #tpu.memory_space<semaphore_mem>>) src(%dma_wait3A_314 : memref<1600x32xf32, #tpu.memory_space<vmem>>) dst(%dma_wait3A_310 : memref<1600x32xf32, #tpu.memory_space<hbm>>)
      %dma_start3A_315 = arith.constant 0 : i32
      %dma_start3A_316 = arith.constant 0 : i32
      %dma_start3A_317 = arith.constant 0 : i32
      %dma_start3A_318 = arith.constant 0 : i32
      %dma_start3A_319 = arith.constant 0 : i32
      %dma_start3A_320 = tpu.memref_slice %arg6[%dma_start3A_316, %dma_start3A_318, %dma_start3A_319] : memref<2x1600x32xf32, #tpu.memory_space<vmem>> -> memref<1x1600x32xf32, #tpu.memory_space<vmem>>
      %dma_start3A_321 = tpu.memref_squeeze %dma_start3A_320 : memref<1x1600x32xf32, #tpu.memory_space<vmem>> -> memref<1600x32xf32, #tpu.memory_space<vmem>>
      %dma_start3A_322 = arith.constant 0 : i32
      %dma_start3A_323 = tpu.memref_slice %arg5[%dma_start3A_315, %dma_start3A_322] : memref<2x1600xi32, #tpu.memory_space<vmem>> -> memref<1x1600xi32, #tpu.memory_space<vmem>>
      %dma_start3A_324 = tpu.memref_squeeze %dma_start3A_323 : memref<1x1600xi32, #tpu.memory_space<vmem>> -> memref<1600xi32, #tpu.memory_space<vmem>>
      %dma_start3A_325 = arith.constant 0 : i32
      %dma_start3A_326 = arith.constant 0 : i32
      %dma_start3A_327 = tpu.memref_slice %arg3[%dma_start3A_325, %dma_start3A_326] : memref<1000000x32xf32, #tpu.memory_space<hbm>> -> memref<1000000x32xf32, #tpu.memory_space<hbm>>
      %dma_start3A_328 = tpu.memref_slice %arg8[%dma_start3A_317] : memref<2x!tpu.dma_semaphore, #tpu.memory_space<semaphore_mem>> -> memref<1x!tpu.dma_semaphore, #tpu.memory_space<semaphore_mem>>
      %dma_start3A_329 = tpu.memref_squeeze %dma_start3A_328 : memref<1x!tpu.dma_semaphore, #tpu.memory_space<semaphore_mem>> -> memref<!tpu.dma_semaphore, #tpu.memory_space<semaphore_mem>>
      tpu.enqueue_indirect_dma source(%dma_start3A_327 : memref<1000000x32xf32, #tpu.memory_space<hbm>>) target(%dma_start3A_321 : memref<1600x32xf32, #tpu.memory_space<vmem>>) offsets(%dma_start3A_324 : memref<1600xi32, #tpu.memory_space<vmem>>) semaphore(%dma_start3A_329 : memref<!tpu.dma_semaphore, #tpu.memory_space<semaphore_mem>>)
      %dma_wait3A_330 = arith.constant 0 : i32
      %dma_wait3A_331 = arith.constant 0 : i32
      %dma_wait3A_332 = arith.constant 0 : i32
      %dma_wait3A_333 = arith.constant 0 : i32
      %dma_wait3A_334 = arith.constant 0 : i32
      %dma_wait3A_335 = tpu.memref_slice %arg6[%dma_wait3A_331, %dma_wait3A_333, %dma_wait3A_334] : memref<2x1600x32xf32, #tpu.memory_space<vmem>> -> memref<1x1600x32xf32, #tpu.memory_space<vmem>>
      %dma_wait3A_336 = tpu.memref_squeeze %dma_wait3A_335 : memref<1x1600x32xf32, #tpu.memory_space<vmem>> -> memref<1600x32xf32, #tpu.memory_space<vmem>>
      %dma_wait3A_337 = arith.constant 0 : i32
      %dma_wait3A_338 = tpu.memref_slice %arg5[%dma_wait3A_330, %dma_wait3A_337] : memref<2x1600xi32, #tpu.memory_space<vmem>> -> memref<1x1600xi32, #tpu.memory_space<vmem>>
      %dma_wait3A_339 = tpu.memref_squeeze %dma_wait3A_338 : memref<1x1600xi32, #tpu.memory_space<vmem>> -> memref<1600xi32, #tpu.memory_space<vmem>>
      %dma_wait3A_340 = arith.constant 0 : i32
      %dma_wait3A_341 = arith.constant 0 : i32
      %dma_wait3A_342 = tpu.memref_slice %arg3[%dma_wait3A_340, %dma_wait3A_341] : memref<1000000x32xf32, #tpu.memory_space<hbm>> -> memref<1000000x32xf32, #tpu.memory_space<hbm>>
      %dma_wait3A_343 = tpu.memref_slice %arg8[%dma_wait3A_332] : memref<2x!tpu.dma_semaphore, #tpu.memory_space<semaphore_mem>> -> memref<1x!tpu.dma_semaphore, #tpu.memory_space<semaphore_mem>>
      %dma_wait3A_344 = tpu.memref_squeeze %dma_wait3A_343 : memref<1x!tpu.dma_semaphore, #tpu.memory_space<semaphore_mem>> -> memref<!tpu.dma_semaphore, #tpu.memory_space<semaphore_mem>>
      tpu.wait_indirect_dma semaphore(%dma_wait3A_344 : memref<!tpu.dma_semaphore, #tpu.memory_space<semaphore_mem>>) src(%dma_wait3A_342 : memref<1000000x32xf32, #tpu.memory_space<hbm>>) dst(%dma_wait3A_336 : memref<1600x32xf32, #tpu.memory_space<vmem>>)
      %mul3A_345 = arith.constant 1600 : i32
      %mul3A_346 = arith.muli %mul3A_224, %mul3A_345 : i32
      %add3A_347 = arith.addi %mul3A_2, %mul3A_346 : i32
      %dma_start3A_348 = arith.constant 0 : i32
      %dma_start3A_349 = arith.constant 0 : i32
      %dma_start3A_350 = arith.constant 0 : i32
      %dma_start3A_351 = arith.constant 0 : i32
      %dma_start3A_352 = tpu.memref_slice %arg6[%dma_start3A_348, %dma_start3A_350, %dma_start3A_351] : memref<2x1600x32xf32, #tpu.memory_space<vmem>> -> memref<1x1600x32xf32, #tpu.memory_space<vmem>>
      %dma_start3A_353 = tpu.memref_squeeze %dma_start3A_352 : memref<1x1600x32xf32, #tpu.memory_space<vmem>> -> memref<1600x32xf32, #tpu.memory_space<vmem>>
      %dma_start3A_354 = arith.constant 0 : i32
      %dma_start3A_355 = tpu.memref_slice %arg4[%add3A_347, %dma_start3A_354] : memref<3276800x32xf32, #tpu.memory_space<hbm>> -> memref<1600x32xf32, #tpu.memory_space<hbm>>
      %dma_start3A_356 = tpu.memref_slice %arg9[%dma_start3A_349] : memref<2x!tpu.dma_semaphore, #tpu.memory_space<semaphore_mem>> -> memref<1x!tpu.dma_semaphore, #tpu.memory_space<semaphore_mem>>
      %dma_start3A_357 = tpu.memref_squeeze %dma_start3A_356 : memref<1x!tpu.dma_semaphore, #tpu.memory_space<semaphore_mem>> -> memref<!tpu.dma_semaphore, #tpu.memory_space<semaphore_mem>>
      %dma_start3A_358 = arith.constant 0 : i32
      %dma_start3A_359 = tpu.memref_slice %arg4[%add3A_347, %dma_start3A_358] : memref<3276800x32xf32, #tpu.memory_space<hbm>> -> memref<1600x32xf32, #tpu.memory_space<hbm>>
      %dma_start3A_360 = arith.constant 0 : i32
      %dma_start3A_361 = arith.constant 0 : i32
      %dma_start3A_362 = tpu.memref_slice %arg6[%dma_start3A_348, %dma_start3A_360, %dma_start3A_361] : memref<2x1600x32xf32, #tpu.memory_space<vmem>> -> memref<1x1600x32xf32, #tpu.memory_space<vmem>>
      %dma_start3A_363 = tpu.memref_squeeze %dma_start3A_362 : memref<1x1600x32xf32, #tpu.memory_space<vmem>> -> memref<1600x32xf32, #tpu.memory_space<vmem>>
      tpu.enqueue_dma source(%dma_start3A_363 : memref<1600x32xf32, #tpu.memory_space<vmem>>) target(%dma_start3A_359 : memref<1600x32xf32, #tpu.memory_space<hbm>>) target_semaphore(%dma_start3A_357 : memref<!tpu.dma_semaphore, #tpu.memory_space<semaphore_mem>>)
      %add3A_364 = arith.constant 1 : i32
      %add3A_365 = arith.addi %add3A_226, %add3A_364 : i32
      %mul3A_366 = arith.constant 1600 : i32
      %mul3A_367 = arith.muli %add3A_365, %mul3A_366 : i32
      %add3A_368 = arith.addi %mul3A_2, %mul3A_367 : i32
      %dma_start3A_369 = arith.constant 0 : i32
      %dma_start3A_370 = arith.constant 0 : i32
      %dma_start3A_371 = arith.constant 0 : i32
      %dma_start3A_372 = tpu.memref_slice %arg5[%dma_start3A_369, %dma_start3A_371] : memref<2x1600xi32, #tpu.memory_space<vmem>> -> memref<1x1600xi32, #tpu.memory_space<vmem>>
      %dma_start3A_373 = tpu.memref_squeeze %dma_start3A_372 : memref<1x1600xi32, #tpu.memory_space<vmem>> -> memref<1600xi32, #tpu.memory_space<vmem>>
      %dma_start3A_374 = tpu.memref_slice %arg2[%add3A_368] : memref<3278400xi32, #tpu.memory_space<hbm>> -> memref<1600xi32, #tpu.memory_space<hbm>>
      %dma_start3A_375 = tpu.memref_slice %arg7[%dma_start3A_370] : memref<2x!tpu.dma_semaphore, #tpu.memory_space<semaphore_mem>> -> memref<1x!tpu.dma_semaphore, #tpu.memory_space<semaphore_mem>>
      %dma_start3A_376 = tpu.memref_squeeze %dma_start3A_375 : memref<1x!tpu.dma_semaphore, #tpu.memory_space<semaphore_mem>> -> memref<!tpu.dma_semaphore, #tpu.memory_space<semaphore_mem>>
      %dma_start3A_377 = arith.constant 0 : i32
      %dma_start3A_378 = tpu.memref_slice %arg5[%dma_start3A_369, %dma_start3A_377] : memref<2x1600xi32, #tpu.memory_space<vmem>> -> memref<1x1600xi32, #tpu.memory_space<vmem>>
      %dma_start3A_379 = tpu.memref_squeeze %dma_start3A_378 : memref<1x1600xi32, #tpu.memory_space<vmem>> -> memref<1600xi32, #tpu.memory_space<vmem>>
      %dma_start3A_380 = tpu.memref_slice %arg2[%add3A_368] : memref<3278400xi32, #tpu.memory_space<hbm>> -> memref<1600xi32, #tpu.memory_space<hbm>>
      tpu.enqueue_dma source(%dma_start3A_380 : memref<1600xi32, #tpu.memory_space<hbm>>) target(%dma_start3A_379 : memref<1600xi32, #tpu.memory_space<vmem>>) target_semaphore(%dma_start3A_376 : memref<!tpu.dma_semaphore, #tpu.memory_space<semaphore_mem>>)
      %mul3A_381 = arith.constant 1600 : i32
      %mul3A_382 = arith.muli %add3A_226, %mul3A_381 : i32
      %add3A_383 = arith.addi %mul3A_2, %mul3A_382 : i32
      %dma_wait3A_384 = arith.constant 1 : i32
      %dma_wait3A_385 = arith.constant 1 : i32
      %dma_wait3A_386 = arith.constant 0 : i32
      %dma_wait3A_387 = tpu.memref_slice %arg5[%dma_wait3A_384, %dma_wait3A_386] : memref<2x1600xi32, #tpu.memory_space<vmem>> -> memref<1x1600xi32, #tpu.memory_space<vmem>>
      %dma_wait3A_388 = tpu.memref_squeeze %dma_wait3A_387 : memref<1x1600xi32, #tpu.memory_space<vmem>> -> memref<1600xi32, #tpu.memory_space<vmem>>
      %dma_wait3A_389 = tpu.memref_slice %arg2[%add3A_383] : memref<3278400xi32, #tpu.memory_space<hbm>> -> memref<1600xi32, #tpu.memory_space<hbm>>
      %dma_wait3A_390 = tpu.memref_slice %arg7[%dma_wait3A_385] : memref<2x!tpu.dma_semaphore, #tpu.memory_space<semaphore_mem>> -> memref<1x!tpu.dma_semaphore, #tpu.memory_space<semaphore_mem>>
      %dma_wait3A_391 = tpu.memref_squeeze %dma_wait3A_390 : memref<1x!tpu.dma_semaphore, #tpu.memory_space<semaphore_mem>> -> memref<!tpu.dma_semaphore, #tpu.memory_space<semaphore_mem>>
      %dma_wait3A_392 = arith.constant 0 : i32
      %dma_wait3A_393 = tpu.memref_slice %arg5[%dma_wait3A_384, %dma_wait3A_392] : memref<2x1600xi32, #tpu.memory_space<vmem>> -> memref<1x1600xi32, #tpu.memory_space<vmem>>
      %dma_wait3A_394 = tpu.memref_squeeze %dma_wait3A_393 : memref<1x1600xi32, #tpu.memory_space<vmem>> -> memref<1600xi32, #tpu.memory_space<vmem>>
      %dma_wait3A_395 = tpu.memref_slice %arg2[%add3A_383] : memref<3278400xi32, #tpu.memory_space<hbm>> -> memref<1600xi32, #tpu.memory_space<hbm>>
      tpu.wait_dma2 semaphore(%dma_wait3A_391 : memref<!tpu.dma_semaphore, #tpu.memory_space<semaphore_mem>>) src(%dma_wait3A_395 : memref<1600xi32, #tpu.memory_space<hbm>>) dst(%dma_wait3A_394 : memref<1600xi32, #tpu.memory_space<vmem>>)
      %sub3A_396 = arith.constant 2 : i32
      %sub3A_397 = arith.subi %add3A_226, %sub3A_396 : i32
      %mul3A_398 = arith.constant 1600 : i32
      %mul3A_399 = arith.muli %sub3A_397, %mul3A_398 : i32
      %add3A_400 = arith.addi %mul3A_2, %mul3A_399 : i32
      %dma_wait3A_401 = arith.constant 1 : i32
      %dma_wait3A_402 = arith.constant 1 : i32
      %dma_wait3A_403 = arith.constant 0 : i32
      %dma_wait3A_404 = arith.constant 0 : i32
      %dma_wait3A_405 = tpu.memref_slice %arg6[%dma_wait3A_401, %dma_wait3A_403, %dma_wait3A_404] : memref<2x1600x32xf32, #tpu.memory_space<vmem>> -> memref<1x1600x32xf32, #tpu.memory_space<vmem>>
      %dma_wait3A_406 = tpu.memref_squeeze %dma_wait3A_405 : memref<1x1600x32xf32, #tpu.memory_space<vmem>> -> memref<1600x32xf32, #tpu.memory_space<vmem>>
      %dma_wait3A_407 = arith.constant 0 : i32
      %dma_wait3A_408 = tpu.memref_slice %arg4[%add3A_400, %dma_wait3A_407] : memref<3276800x32xf32, #tpu.memory_space<hbm>> -> memref<1600x32xf32, #tpu.memory_space<hbm>>
      %dma_wait3A_409 = tpu.memref_slice %arg9[%dma_wait3A_402] : memref<2x!tpu.dma_semaphore, #tpu.memory_space<semaphore_mem>> -> memref<1x!tpu.dma_semaphore, #tpu.memory_space<semaphore_mem>>
      %dma_wait3A_410 = tpu.memref_squeeze %dma_wait3A_409 : memref<1x!tpu.dma_semaphore, #tpu.memory_space<semaphore_mem>> -> memref<!tpu.dma_semaphore, #tpu.memory_space<semaphore_mem>>
      %dma_wait3A_411 = arith.constant 0 : i32
      %dma_wait3A_412 = tpu.memref_slice %arg4[%add3A_400, %dma_wait3A_411] : memref<3276800x32xf32, #tpu.memory_space<hbm>> -> memref<1600x32xf32, #tpu.memory_space<hbm>>
      %dma_wait3A_413 = arith.constant 0 : i32
      %dma_wait3A_414 = arith.constant 0 : i32
      %dma_wait3A_415 = tpu.memref_slice %arg6[%dma_wait3A_401, %dma_wait3A_413, %dma_wait3A_414] : memref<2x1600x32xf32, #tpu.memory_space<vmem>> -> memref<1x1600x32xf32, #tpu.memory_space<vmem>>
      %dma_wait3A_416 = tpu.memref_squeeze %dma_wait3A_415 : memref<1x1600x32xf32, #tpu.memory_space<vmem>> -> memref<1600x32xf32, #tpu.memory_space<vmem>>
      tpu.wait_dma2 semaphore(%dma_wait3A_410 : memref<!tpu.dma_semaphore, #tpu.memory_space<semaphore_mem>>) src(%dma_wait3A_416 : memref<1600x32xf32, #tpu.memory_space<vmem>>) dst(%dma_wait3A_412 : memref<1600x32xf32, #tpu.memory_space<hbm>>)
      %dma_start3A_417 = arith.constant 1 : i32
      %dma_start3A_418 = arith.constant 1 : i32
      %dma_start3A_419 = arith.constant 1 : i32
      %dma_start3A_420 = arith.constant 0 : i32
      %dma_start3A_421 = arith.constant 0 : i32
      %dma_start3A_422 = tpu.memref_slice %arg6[%dma_start3A_418, %dma_start3A_420, %dma_start3A_421] : memref<2x1600x32xf32, #tpu.memory_space<vmem>> -> memref<1x1600x32xf32, #tpu.memory_space<vmem>>
      %dma_start3A_423 = tpu.memref_squeeze %dma_start3A_422 : memref<1x1600x32xf32, #tpu.memory_space<vmem>> -> memref<1600x32xf32, #tpu.memory_space<vmem>>
      %dma_start3A_424 = arith.constant 0 : i32
      %dma_start3A_425 = tpu.memref_slice %arg5[%dma_start3A_417, %dma_start3A_424] : memref<2x1600xi32, #tpu.memory_space<vmem>> -> memref<1x1600xi32, #tpu.memory_space<vmem>>
      %dma_start3A_426 = tpu.memref_squeeze %dma_start3A_425 : memref<1x1600xi32, #tpu.memory_space<vmem>> -> memref<1600xi32, #tpu.memory_space<vmem>>
      %dma_start3A_427 = arith.constant 0 : i32
      %dma_start3A_428 = arith.constant 0 : i32
      %dma_start3A_429 = tpu.memref_slice %arg3[%dma_start3A_427, %dma_start3A_428] : memref<1000000x32xf32, #tpu.memory_space<hbm>> -> memref<1000000x32xf32, #tpu.memory_space<hbm>>
      %dma_start3A_430 = tpu.memref_slice %arg8[%dma_start3A_419] : memref<2x!tpu.dma_semaphore, #tpu.memory_space<semaphore_mem>> -> memref<1x!tpu.dma_semaphore, #tpu.memory_space<semaphore_mem>>
      %dma_start3A_431 = tpu.memref_squeeze %dma_start3A_430 : memref<1x!tpu.dma_semaphore, #tpu.memory_space<semaphore_mem>> -> memref<!tpu.dma_semaphore, #tpu.memory_space<semaphore_mem>>
      tpu.enqueue_indirect_dma source(%dma_start3A_429 : memref<1000000x32xf32, #tpu.memory_space<hbm>>) target(%dma_start3A_423 : memref<1600x32xf32, #tpu.memory_space<vmem>>) offsets(%dma_start3A_426 : memref<1600xi32, #tpu.memory_space<vmem>>) semaphore(%dma_start3A_431 : memref<!tpu.dma_semaphore, #tpu.memory_space<semaphore_mem>>)
    }
    %scan3A_138 = arith.constant 31 : i32
    %dma_wait3A_139 = arith.constant 1 : i32
    %dma_wait3A_140 = arith.constant 1 : i32
    %dma_wait3A_141 = arith.constant 1 : i32
    %dma_wait3A_142 = arith.constant 0 : i32
    %dma_wait3A_143 = arith.constant 0 : i32
    %dma_wait3A_144 = tpu.memref_slice %arg6[%dma_wait3A_140, %dma_wait3A_142, %dma_wait3A_143] : memref<2x1600x32xf32, #tpu.memory_space<vmem>> -> memref<1x1600x32xf32, #tpu.memory_space<vmem>>
    %dma_wait3A_145 = tpu.memref_squeeze %dma_wait3A_144 : memref<1x1600x32xf32, #tpu.memory_space<vmem>> -> memref<1600x32xf32, #tpu.memory_space<vmem>>
    %dma_wait3A_146 = arith.constant 0 : i32
    %dma_wait3A_147 = tpu.memref_slice %arg5[%dma_wait3A_139, %dma_wait3A_146] : memref<2x1600xi32, #tpu.memory_space<vmem>> -> memref<1x1600xi32, #tpu.memory_space<vmem>>
    %dma_wait3A_148 = tpu.memref_squeeze %dma_wait3A_147 : memref<1x1600xi32, #tpu.memory_space<vmem>> -> memref<1600xi32, #tpu.memory_space<vmem>>
    %dma_wait3A_149 = arith.constant 0 : i32
    %dma_wait3A_150 = arith.constant 0 : i32
    %dma_wait3A_151 = tpu.memref_slice %arg3[%dma_wait3A_149, %dma_wait3A_150] : memref<1000000x32xf32, #tpu.memory_space<hbm>> -> memref<1000000x32xf32, #tpu.memory_space<hbm>>
    %dma_wait3A_152 = tpu.memref_slice %arg8[%dma_wait3A_141] : memref<2x!tpu.dma_semaphore, #tpu.memory_space<semaphore_mem>> -> memref<1x!tpu.dma_semaphore, #tpu.memory_space<semaphore_mem>>
    %dma_wait3A_153 = tpu.memref_squeeze %dma_wait3A_152 : memref<1x!tpu.dma_semaphore, #tpu.memory_space<semaphore_mem>> -> memref<!tpu.dma_semaphore, #tpu.memory_space<semaphore_mem>>
    tpu.wait_indirect_dma semaphore(%dma_wait3A_153 : memref<!tpu.dma_semaphore, #tpu.memory_space<semaphore_mem>>) src(%dma_wait3A_151 : memref<1000000x32xf32, #tpu.memory_space<hbm>>) dst(%dma_wait3A_145 : memref<1600x32xf32, #tpu.memory_space<vmem>>)
    %add3A_154 = arith.constant 100800 : i32
    %add3A_155 = arith.addi %mul3A_2, %add3A_154 : i32
    %dma_start3A_156 = arith.constant 1 : i32
    %dma_start3A_157 = arith.constant 1 : i32
    %dma_start3A_158 = arith.constant 0 : i32
    %dma_start3A_159 = arith.constant 0 : i32
    %dma_start3A_160 = tpu.memref_slice %arg6[%dma_start3A_156, %dma_start3A_158, %dma_start3A_159] : memref<2x1600x32xf32, #tpu.memory_space<vmem>> -> memref<1x1600x32xf32, #tpu.memory_space<vmem>>
    %dma_start3A_161 = tpu.memref_squeeze %dma_start3A_160 : memref<1x1600x32xf32, #tpu.memory_space<vmem>> -> memref<1600x32xf32, #tpu.memory_space<vmem>>
    %dma_start3A_162 = arith.constant 0 : i32
    %dma_start3A_163 = tpu.memref_slice %arg4[%add3A_155, %dma_start3A_162] : memref<3276800x32xf32, #tpu.memory_space<hbm>> -> memref<1600x32xf32, #tpu.memory_space<hbm>>
    %dma_start3A_164 = tpu.memref_slice %arg9[%dma_start3A_157] : memref<2x!tpu.dma_semaphore, #tpu.memory_space<semaphore_mem>> -> memref<1x!tpu.dma_semaphore, #tpu.memory_space<semaphore_mem>>
    %dma_start3A_165 = tpu.memref_squeeze %dma_start3A_164 : memref<1x!tpu.dma_semaphore, #tpu.memory_space<semaphore_mem>> -> memref<!tpu.dma_semaphore, #tpu.memory_space<semaphore_mem>>
    %dma_start3A_166 = arith.constant 0 : i32
    %dma_start3A_167 = tpu.memref_slice %arg4[%add3A_155, %dma_start3A_166] : memref<3276800x32xf32, #tpu.memory_space<hbm>> -> memref<1600x32xf32, #tpu.memory_space<hbm>>
    %dma_start3A_168 = arith.constant 0 : i32
    %dma_start3A_169 = arith.constant 0 : i32
    %dma_start3A_170 = tpu.memref_slice %arg6[%dma_start3A_156, %dma_start3A_168, %dma_start3A_169] : memref<2x1600x32xf32, #tpu.memory_space<vmem>> -> memref<1x1600x32xf32, #tpu.memory_space<vmem>>
    %dma_start3A_171 = tpu.memref_squeeze %dma_start3A_170 : memref<1x1600x32xf32, #tpu.memory_space<vmem>> -> memref<1600x32xf32, #tpu.memory_space<vmem>>
    tpu.enqueue_dma source(%dma_start3A_171 : memref<1600x32xf32, #tpu.memory_space<vmem>>) target(%dma_start3A_167 : memref<1600x32xf32, #tpu.memory_space<hbm>>) target_semaphore(%dma_start3A_165 : memref<!tpu.dma_semaphore, #tpu.memory_space<semaphore_mem>>)
    %add3A_172 = arith.constant 102400 : i32
    %add3A_173 = arith.addi %mul3A_2, %add3A_172 : i32
    %dma_wait3A_174 = arith.constant 0 : i32
    %dma_wait3A_175 = arith.constant 0 : i32
    %dma_wait3A_176 = arith.constant 0 : i32
    %dma_wait3A_177 = tpu.memref_slice %arg5[%dma_wait3A_174, %dma_wait3A_176] : memref<2x1600xi32, #tpu.memory_space<vmem>> -> memref<1x1600xi32, #tpu.memory_space<vmem>>
    %dma_wait3A_178 = tpu.memref_squeeze %dma_wait3A_177 : memref<1x1600xi32, #tpu.memory_space<vmem>> -> memref<1600xi32, #tpu.memory_space<vmem>>
    %dma_wait3A_179 = tpu.memref_slice %arg2[%add3A_173] : memref<3278400xi32, #tpu.memory_space<hbm>> -> memref<1600xi32, #tpu.memory_space<hbm>>
    %dma_wait3A_180 = tpu.memref_slice %arg7[%dma_wait3A_175] : memref<2x!tpu.dma_semaphore, #tpu.memory_space<semaphore_mem>> -> memref<1x!tpu.dma_semaphore, #tpu.memory_space<semaphore_mem>>
    %dma_wait3A_181 = tpu.memref_squeeze %dma_wait3A_180 : memref<1x!tpu.dma_semaphore, #tpu.memory_space<semaphore_mem>> -> memref<!tpu.dma_semaphore, #tpu.memory_space<semaphore_mem>>
    %dma_wait3A_182 = arith.constant 0 : i32
    %dma_wait3A_183 = tpu.memref_slice %arg5[%dma_wait3A_174, %dma_wait3A_182] : memref<2x1600xi32, #tpu.memory_space<vmem>> -> memref<1x1600xi32, #tpu.memory_space<vmem>>
    %dma_wait3A_184 = tpu.memref_squeeze %dma_wait3A_183 : memref<1x1600xi32, #tpu.memory_space<vmem>> -> memref<1600xi32, #tpu.memory_space<vmem>>
    %dma_wait3A_185 = tpu.memref_slice %arg2[%add3A_173] : memref<3278400xi32, #tpu.memory_space<hbm>> -> memref<1600xi32, #tpu.memory_space<hbm>>
    tpu.wait_dma2 semaphore(%dma_wait3A_181 : memref<!tpu.dma_semaphore, #tpu.memory_space<semaphore_mem>>) src(%dma_wait3A_185 : memref<1600xi32, #tpu.memory_space<hbm>>) dst(%dma_wait3A_184 : memref<1600xi32, #tpu.memory_space<vmem>>)
    %add3A_186 = arith.constant 99200 : i32
    %add3A_187 = arith.addi %mul3A_2, %add3A_186 : i32
    %dma_wait3A_188 = arith.constant 0 : i32
    %dma_wait3A_189 = arith.constant 0 : i32
    %dma_wait3A_190 = arith.constant 0 : i32
    %dma_wait3A_191 = arith.constant 0 : i32
    %dma_wait3A_192 = tpu.memref_slice %arg6[%dma_wait3A_188, %dma_wait3A_190, %dma_wait3A_191] : memref<2x1600x32xf32, #tpu.memory_space<vmem>> -> memref<1x1600x32xf32, #tpu.memory_space<vmem>>
    %dma_wait3A_193 = tpu.memref_squeeze %dma_wait3A_192 : memref<1x1600x32xf32, #tpu.memory_space<vmem>> -> memref<1600x32xf32, #tpu.memory_space<vmem>>
    %dma_wait3A_194 = arith.constant 0 : i32
    %dma_wait3A_195 = tpu.memref_slice %arg4[%add3A_187, %dma_wait3A_194] : memref<3276800x32xf32, #tpu.memory_space<hbm>> -> memref<1600x32xf32, #tpu.memory_space<hbm>>
    %dma_wait3A_196 = tpu.memref_slice %arg9[%dma_wait3A_189] : memref<2x!tpu.dma_semaphore, #tpu.memory_space<semaphore_mem>> -> memref<1x!tpu.dma_semaphore, #tpu.memory_space<semaphore_mem>>
    %dma_wait3A_197 = tpu.memref_squeeze %dma_wait3A_196 : memref<1x!tpu.dma_semaphore, #tpu.memory_space<semaphore_mem>> -> memref<!tpu.dma_semaphore, #tpu.memory_space<semaphore_mem>>
    %dma_wait3A_198 = arith.constant 0 : i32
    %dma_wait3A_199 = tpu.memref_slice %arg4[%add3A_187, %dma_wait3A_198] : memref<3276800x32xf32, #tpu.memory_space<hbm>> -> memref<1600x32xf32, #tpu.memory_space<hbm>>
    %dma_wait3A_200 = arith.constant 0 : i32
    %dma_wait3A_201 = arith.constant 0 : i32
    %dma_wait3A_202 = tpu.memref_slice %arg6[%dma_wait3A_188, %dma_wait3A_200, %dma_wait3A_201] : memref<2x1600x32xf32, #tpu.memory_space<vmem>> -> memref<1x1600x32xf32, #tpu.memory_space<vmem>>
    %dma_wait3A_203 = tpu.memref_squeeze %dma_wait3A_202 : memref<1x1600x32xf32, #tpu.memory_space<vmem>> -> memref<1600x32xf32, #tpu.memory_space<vmem>>
    tpu.wait_dma2 semaphore(%dma_wait3A_197 : memref<!tpu.dma_semaphore, #tpu.memory_space<semaphore_mem>>) src(%dma_wait3A_203 : memref<1600x32xf32, #tpu.memory_space<vmem>>) dst(%dma_wait3A_199 : memref<1600x32xf32, #tpu.memory_space<hbm>>)
    %add3A_204 = arith.constant 100800 : i32
    %add3A_205 = arith.addi %mul3A_2, %add3A_204 : i32
    %dma_wait3A_206 = arith.constant 1 : i32
    %dma_wait3A_207 = arith.constant 1 : i32
    %dma_wait3A_208 = arith.constant 0 : i32
    %dma_wait3A_209 = arith.constant 0 : i32
    %dma_wait3A_210 = tpu.memref_slice %arg6[%dma_wait3A_206, %dma_wait3A_208, %dma_wait3A_209] : memref<2x1600x32xf32, #tpu.memory_space<vmem>> -> memref<1x1600x32xf32, #tpu.memory_space<vmem>>
    %dma_wait3A_211 = tpu.memref_squeeze %dma_wait3A_210 : memref<1x1600x32xf32, #tpu.memory_space<vmem>> -> memref<1600x32xf32, #tpu.memory_space<vmem>>
    %dma_wait3A_212 = arith.constant 0 : i32
    %dma_wait3A_213 = tpu.memref_slice %arg4[%add3A_205, %dma_wait3A_212] : memref<3276800x32xf32, #tpu.memory_space<hbm>> -> memref<1600x32xf32, #tpu.memory_space<hbm>>
    %dma_wait3A_214 = tpu.memref_slice %arg9[%dma_wait3A_207] : memref<2x!tpu.dma_semaphore, #tpu.memory_space<semaphore_mem>> -> memref<1x!tpu.dma_semaphore, #tpu.memory_space<semaphore_mem>>
    %dma_wait3A_215 = tpu.memref_squeeze %dma_wait3A_214 : memref<1x!tpu.dma_semaphore, #tpu.memory_space<semaphore_mem>> -> memref<!tpu.dma_semaphore, #tpu.memory_space<semaphore_mem>>
    %dma_wait3A_216 = arith.constant 0 : i32
    %dma_wait3A_217 = tpu.memref_slice %arg4[%add3A_205, %dma_wait3A_216] : memref<3276800x32xf32, #tpu.memory_space<hbm>> -> memref<1600x32xf32, #tpu.memory_space<hbm>>
    %dma_wait3A_218 = arith.constant 0 : i32
    %dma_wait3A_219 = arith.constant 0 : i32
    %dma_wait3A_220 = tpu.memref_slice %arg6[%dma_wait3A_206, %dma_wait3A_218, %dma_wait3A_219] : memref<2x1600x32xf32, #tpu.memory_space<vmem>> -> memref<1x1600x32xf32, #tpu.memory_space<vmem>>
    %dma_wait3A_221 = tpu.memref_squeeze %dma_wait3A_220 : memref<1x1600x32xf32, #tpu.memory_space<vmem>> -> memref<1600x32xf32, #tpu.memory_space<vmem>>
    tpu.wait_dma2 semaphore(%dma_wait3A_215 : memref<!tpu.dma_semaphore, #tpu.memory_space<semaphore_mem>>) src(%dma_wait3A_221 : memref<1600x32xf32, #tpu.memory_space<vmem>>) dst(%dma_wait3A_217 : memref<1600x32xf32, #tpu.memory_space<hbm>>)
    return
  }
}

module attributes {stable_mosaic.version = 14 : i64} {
  func.func @body(%arg0: i32, %arg1: memref<6400x128xf32, #tpu.memory_space<vmem>>, %arg2: memref<50x4x4x1x8x128xf32, #tpu.memory_space<vmem>>) attributes {dimension_semantics = [#tpu.dimension_semantics<arbitrary>], iteration_bounds = array<i64: 128>, scalar_prefetch = 0 : i64, scratch_operands = 0 : i64, tpu.core_type = #tpu.core_type<tc>, window_params = [{transform_indices = @transform_0, window_bounds = array<i64: 6400, 128>}, {transform_indices = @transform_1, window_bounds = array<i64: 50, 4, 4, 1, 8, 128>}]} {
    %iota3A = tpu.iota {dimensions = array<i32: 0>} : vector<128x128xi32>
    %iota3A_0 = tpu.iota {dimensions = array<i32: 1>} : vector<128x128xi32>
    %eq3A = arith.cmpi eq, %iota3A, %iota3A_0 : vector<128x128xi32>
    %convert_element_type3A = arith.extui %eq3A : vector<128x128xi1> to vector<128x128xi32>
    %convert_element_type3A_1 = arith.sitofp %convert_element_type3A : vector<128x128xi32> to vector<128x128xf32>
    %get3A = arith.constant 0 : index
    %get3A_2 = arith.constant 0 : index
    %get3A_3 = vector.load %arg1[%get3A, %get3A_2] : memref<6400x128xf32, #tpu.memory_space<vmem>>, vector<6400x128xf32>
    %reshape3A = vector.shape_cast %get3A_3 : vector<6400x128xf32> to vector<128x50x128xf32>
    %slice3A = vector.extract_strided_slice %reshape3A {offsets = [0, 0, 0], sizes = [128, 1, 128], strides = [1, 1, 1]} : vector<128x50x128xf32> to vector<128x1x128xf32>
    %squeeze3A = vector.shape_cast %slice3A : vector<128x1x128xf32> to vector<128x128xf32>
    %dot_general3A = arith.constant dense<0.000000e+00> : vector<128x128xf32>
    %dot_general3A_4 = tpu.matmul %squeeze3A, %convert_element_type3A_1, %dot_general3A {dimension_numbers = #tpu.dot_dimension_numbers<[0], [0], [1], [1], [0, 1, 1, 1], [], []>, transpose_lhs_hint = false} : vector<128x128xf32>, vector<128x128xf32>, vector<128x128xf32> -> vector<128x128xf32>
    %reshape3A_5 = vector.shape_cast %dot_general3A_4 : vector<128x128xf32> to vector<4x4x1x8x128xf32>
    %swap3A = arith.constant 0 : index
    %swap3A_6 = arith.constant 0 : index
    %swap3A_7 = arith.constant 0 : index
    %swap3A_8 = arith.constant 0 : index
    %swap3A_9 = arith.constant 0 : index
    %swap3A_10 = arith.constant 0 : index
    %swap3A_11 = vector.load %arg2[%swap3A, %swap3A_6, %swap3A_7, %swap3A_8, %swap3A_9, %swap3A_10] : memref<50x4x4x1x8x128xf32, #tpu.memory_space<vmem>>, vector<1x4x4x1x8x128xf32>
    %swap3A_12 = vector.shape_cast %swap3A_11 : vector<1x4x4x1x8x128xf32> to vector<4x4x1x8x128xf32>
    %swap3A_13 = vector.shape_cast %reshape3A_5 : vector<4x4x1x8x128xf32> to vector<1x4x4x1x8x128xf32>
    tpu.vector_store %arg2[%swap3A, %swap3A_6, %swap3A_7, %swap3A_8, %swap3A_9, %swap3A_10], %swap3A_13 {strides = array<i32>} : memref<50x4x4x1x8x128xf32, #tpu.memory_space<vmem>>, vector<1x4x4x1x8x128xf32>,
    %slice3A_14 = vector.extract_strided_slice %reshape3A {offsets = [0, 1, 0], sizes = [128, 1, 128], strides = [1, 1, 1]} : vector<128x50x128xf32> to vector<128x1x128xf32>
    %squeeze3A_15 = vector.shape_cast %slice3A_14 : vector<128x1x128xf32> to vector<128x128xf32>
    %dot_general3A_16 = arith.constant dense<0.000000e+00> : vector<128x128xf32>
    %dot_general3A_17 = tpu.matmul %squeeze3A_15, %convert_element_type3A_1, %dot_general3A_16 {dimension_numbers = #tpu.dot_dimension_numbers<[0], [0], [1], [1], [0, 1, 1, 1], [], []>, transpose_lhs_hint = false} : vector<128x128xf32>, vector<128x128xf32>, vector<128x128xf32> -> vector<128x128xf32>
    %reshape3A_18 = vector.shape_cast %dot_general3A_17 : vector<128x128xf32> to vector<4x4x1x8x128xf32>
    %swap3A_19 = arith.constant 1 : index
    %swap3A_20 = arith.constant 0 : index
    %swap3A_21 = arith.constant 0 : index
    %swap3A_22 = arith.constant 0 : index
    %swap3A_23 = arith.constant 0 : index
    %swap3A_24 = arith.constant 0 : index
    %swap3A_25 = vector.load %arg2[%swap3A_19, %swap3A_20, %swap3A_21, %swap3A_22, %swap3A_23, %swap3A_24] : memref<50x4x4x1x8x128xf32, #tpu.memory_space<vmem>>, vector<1x4x4x1x8x128xf32>
    %swap3A_26 = vector.shape_cast %swap3A_25 : vector<1x4x4x1x8x128xf32> to vector<4x4x1x8x128xf32>
    %swap3A_27 = vector.shape_cast %reshape3A_18 : vector<4x4x1x8x128xf32> to vector<1x4x4x1x8x128xf32>
    tpu.vector_store %arg2[%swap3A_19, %swap3A_20, %swap3A_21, %swap3A_22, %swap3A_23, %swap3A_24], %swap3A_27 {strides = array<i32>} : memref<50x4x4x1x8x128xf32, #tpu.memory_space<vmem>>, vector<1x4x4x1x8x128xf32>,
    %slice3A_28 = vector.extract_strided_slice %reshape3A {offsets = [0, 2, 0], sizes = [128, 1, 128], strides = [1, 1, 1]} : vector<128x50x128xf32> to vector<128x1x128xf32>
    %squeeze3A_29 = vector.shape_cast %slice3A_28 : vector<128x1x128xf32> to vector<128x128xf32>
    %dot_general3A_30 = arith.constant dense<0.000000e+00> : vector<128x128xf32>
    %dot_general3A_31 = tpu.matmul %squeeze3A_29, %convert_element_type3A_1, %dot_general3A_30 {dimension_numbers = #tpu.dot_dimension_numbers<[0], [0], [1], [1], [0, 1, 1, 1], [], []>, transpose_lhs_hint = false} : vector<128x128xf32>, vector<128x128xf32>, vector<128x128xf32> -> vector<128x128xf32>
    %reshape3A_32 = vector.shape_cast %dot_general3A_31 : vector<128x128xf32> to vector<4x4x1x8x128xf32>
    %swap3A_33 = arith.constant 2 : index
    %swap3A_34 = arith.constant 0 : index
    %swap3A_35 = arith.constant 0 : index
    %swap3A_36 = arith.constant 0 : index
    %swap3A_37 = arith.constant 0 : index
    %swap3A_38 = arith.constant 0 : index
    %swap3A_39 = vector.load %arg2[%swap3A_33, %swap3A_34, %swap3A_35, %swap3A_36, %swap3A_37, %swap3A_38] : memref<50x4x4x1x8x128xf32, #tpu.memory_space<vmem>>, vector<1x4x4x1x8x128xf32>
    %swap3A_40 = vector.shape_cast %swap3A_39 : vector<1x4x4x1x8x128xf32> to vector<4x4x1x8x128xf32>
    %swap3A_41 = vector.shape_cast %reshape3A_32 : vector<4x4x1x8x128xf32> to vector<1x4x4x1x8x128xf32>
    tpu.vector_store %arg2[%swap3A_33, %swap3A_34, %swap3A_35, %swap3A_36, %swap3A_37, %swap3A_38], %swap3A_41 {strides = array<i32>} : memref<50x4x4x1x8x128xf32, #tpu.memory_space<vmem>>, vector<1x4x4x1x8x128xf32>,
    %slice3A_42 = vector.extract_strided_slice %reshape3A {offsets = [0, 3, 0], sizes = [128, 1, 128], strides = [1, 1, 1]} : vector<128x50x128xf32> to vector<128x1x128xf32>
    %squeeze3A_43 = vector.shape_cast %slice3A_42 : vector<128x1x128xf32> to vector<128x128xf32>
    %dot_general3A_44 = arith.constant dense<0.000000e+00> : vector<128x128xf32>
    %dot_general3A_45 = tpu.matmul %squeeze3A_43, %convert_element_type3A_1, %dot_general3A_44 {dimension_numbers = #tpu.dot_dimension_numbers<[0], [0], [1], [1], [0, 1, 1, 1], [], []>, transpose_lhs_hint = false} : vector<128x128xf32>, vector<128x128xf32>, vector<128x128xf32> -> vector<128x128xf32>
    %reshape3A_46 = vector.shape_cast %dot_general3A_45 : vector<128x128xf32> to vector<4x4x1x8x128xf32>
    %swap3A_47 = arith.constant 3 : index
    %swap3A_48 = arith.constant 0 : index
    %swap3A_49 = arith.constant 0 : index
    %swap3A_50 = arith.constant 0 : index
    %swap3A_51 = arith.constant 0 : index
    %swap3A_52 = arith.constant 0 : index
    %swap3A_53 = vector.load %arg2[%swap3A_47, %swap3A_48, %swap3A_49, %swap3A_50, %swap3A_51, %swap3A_52] : memref<50x4x4x1x8x128xf32, #tpu.memory_space<vmem>>, vector<1x4x4x1x8x128xf32>
    %swap3A_54 = vector.shape_cast %swap3A_53 : vector<1x4x4x1x8x128xf32> to vector<4x4x1x8x128xf32>
    %swap3A_55 = vector.shape_cast %reshape3A_46 : vector<4x4x1x8x128xf32> to vector<1x4x4x1x8x128xf32>
    tpu.vector_store %arg2[%swap3A_47, %swap3A_48, %swap3A_49, %swap3A_50, %swap3A_51, %swap3A_52], %swap3A_55 {strides = array<i32>} : memref<50x4x4x1x8x128xf32, #tpu.memory_space<vmem>>, vector<1x4x4x1x8x128xf32>,
    %slice3A_56 = vector.extract_strided_slice %reshape3A {offsets = [0, 4, 0], sizes = [128, 1, 128], strides = [1, 1, 1]} : vector<128x50x128xf32> to vector<128x1x128xf32>
    %squeeze3A_57 = vector.shape_cast %slice3A_56 : vector<128x1x128xf32> to vector<128x128xf32>
    %dot_general3A_58 = arith.constant dense<0.000000e+00> : vector<128x128xf32>
    %dot_general3A_59 = tpu.matmul %squeeze3A_57, %convert_element_type3A_1, %dot_general3A_58 {dimension_numbers = #tpu.dot_dimension_numbers<[0], [0], [1], [1], [0, 1, 1, 1], [], []>, transpose_lhs_hint = false} : vector<128x128xf32>, vector<128x128xf32>, vector<128x128xf32> -> vector<128x128xf32>
    %reshape3A_60 = vector.shape_cast %dot_general3A_59 : vector<128x128xf32> to vector<4x4x1x8x128xf32>
    %swap3A_61 = arith.constant 4 : index
    %swap3A_62 = arith.constant 0 : index
    %swap3A_63 = arith.constant 0 : index
    %swap3A_64 = arith.constant 0 : index
    %swap3A_65 = arith.constant 0 : index
    %swap3A_66 = arith.constant 0 : index
    %swap3A_67 = vector.load %arg2[%swap3A_61, %swap3A_62, %swap3A_63, %swap3A_64, %swap3A_65, %swap3A_66] : memref<50x4x4x1x8x128xf32, #tpu.memory_space<vmem>>, vector<1x4x4x1x8x128xf32>
    %swap3A_68 = vector.shape_cast %swap3A_67 : vector<1x4x4x1x8x128xf32> to vector<4x4x1x8x128xf32>
    %swap3A_69 = vector.shape_cast %reshape3A_60 : vector<4x4x1x8x128xf32> to vector<1x4x4x1x8x128xf32>
    tpu.vector_store %arg2[%swap3A_61, %swap3A_62, %swap3A_63, %swap3A_64, %swap3A_65, %swap3A_66], %swap3A_69 {strides = array<i32>} : memref<50x4x4x1x8x128xf32, #tpu.memory_space<vmem>>, vector<1x4x4x1x8x128xf32>,
    %slice3A_70 = vector.extract_strided_slice %reshape3A {offsets = [0, 5, 0], sizes = [128, 1, 128], strides = [1, 1, 1]} : vector<128x50x128xf32> to vector<128x1x128xf32>
    %squeeze3A_71 = vector.shape_cast %slice3A_70 : vector<128x1x128xf32> to vector<128x128xf32>
    %dot_general3A_72 = arith.constant dense<0.000000e+00> : vector<128x128xf32>
    %dot_general3A_73 = tpu.matmul %squeeze3A_71, %convert_element_type3A_1, %dot_general3A_72 {dimension_numbers = #tpu.dot_dimension_numbers<[0], [0], [1], [1], [0, 1, 1, 1], [], []>, transpose_lhs_hint = false} : vector<128x128xf32>, vector<128x128xf32>, vector<128x128xf32> -> vector<128x128xf32>
    %reshape3A_74 = vector.shape_cast %dot_general3A_73 : vector<128x128xf32> to vector<4x4x1x8x128xf32>
    %swap3A_75 = arith.constant 5 : index
    %swap3A_76 = arith.constant 0 : index
    %swap3A_77 = arith.constant 0 : index
    %swap3A_78 = arith.constant 0 : index
    %swap3A_79 = arith.constant 0 : index
    %swap3A_80 = arith.constant 0 : index
    %swap3A_81 = vector.load %arg2[%swap3A_75, %swap3A_76, %swap3A_77, %swap3A_78, %swap3A_79, %swap3A_80] : memref<50x4x4x1x8x128xf32, #tpu.memory_space<vmem>>, vector<1x4x4x1x8x128xf32>
    %swap3A_82 = vector.shape_cast %swap3A_81 : vector<1x4x4x1x8x128xf32> to vector<4x4x1x8x128xf32>
    %swap3A_83 = vector.shape_cast %reshape3A_74 : vector<4x4x1x8x128xf32> to vector<1x4x4x1x8x128xf32>
    tpu.vector_store %arg2[%swap3A_75, %swap3A_76, %swap3A_77, %swap3A_78, %swap3A_79, %swap3A_80], %swap3A_83 {strides = array<i32>} : memref<50x4x4x1x8x128xf32, #tpu.memory_space<vmem>>, vector<1x4x4x1x8x128xf32>,
    %slice3A_84 = vector.extract_strided_slice %reshape3A {offsets = [0, 6, 0], sizes = [128, 1, 128], strides = [1, 1, 1]} : vector<128x50x128xf32> to vector<128x1x128xf32>
    %squeeze3A_85 = vector.shape_cast %slice3A_84 : vector<128x1x128xf32> to vector<128x128xf32>
    %dot_general3A_86 = arith.constant dense<0.000000e+00> : vector<128x128xf32>
    %dot_general3A_87 = tpu.matmul %squeeze3A_85, %convert_element_type3A_1, %dot_general3A_86 {dimension_numbers = #tpu.dot_dimension_numbers<[0], [0], [1], [1], [0, 1, 1, 1], [], []>, transpose_lhs_hint = false} : vector<128x128xf32>, vector<128x128xf32>, vector<128x128xf32> -> vector<128x128xf32>
    %reshape3A_88 = vector.shape_cast %dot_general3A_87 : vector<128x128xf32> to vector<4x4x1x8x128xf32>
    %swap3A_89 = arith.constant 6 : index
    %swap3A_90 = arith.constant 0 : index
    %swap3A_91 = arith.constant 0 : index
    %swap3A_92 = arith.constant 0 : index
    %swap3A_93 = arith.constant 0 : index
    %swap3A_94 = arith.constant 0 : index
    %swap3A_95 = vector.load %arg2[%swap3A_89, %swap3A_90, %swap3A_91, %swap3A_92, %swap3A_93, %swap3A_94] : memref<50x4x4x1x8x128xf32, #tpu.memory_space<vmem>>, vector<1x4x4x1x8x128xf32>
    %swap3A_96 = vector.shape_cast %swap3A_95 : vector<1x4x4x1x8x128xf32> to vector<4x4x1x8x128xf32>
    %swap3A_97 = vector.shape_cast %reshape3A_88 : vector<4x4x1x8x128xf32> to vector<1x4x4x1x8x128xf32>
    tpu.vector_store %arg2[%swap3A_89, %swap3A_90, %swap3A_91, %swap3A_92, %swap3A_93, %swap3A_94], %swap3A_97 {strides = array<i32>} : memref<50x4x4x1x8x128xf32, #tpu.memory_space<vmem>>, vector<1x4x4x1x8x128xf32>,
    %slice3A_98 = vector.extract_strided_slice %reshape3A {offsets = [0, 7, 0], sizes = [128, 1, 128], strides = [1, 1, 1]} : vector<128x50x128xf32> to vector<128x1x128xf32>
    %squeeze3A_99 = vector.shape_cast %slice3A_98 : vector<128x1x128xf32> to vector<128x128xf32>
    %dot_general3A_100 = arith.constant dense<0.000000e+00> : vector<128x128xf32>
    %dot_general3A_101 = tpu.matmul %squeeze3A_99, %convert_element_type3A_1, %dot_general3A_100 {dimension_numbers = #tpu.dot_dimension_numbers<[0], [0], [1], [1], [0, 1, 1, 1], [], []>, transpose_lhs_hint = false} : vector<128x128xf32>, vector<128x128xf32>, vector<128x128xf32> -> vector<128x128xf32>
    %reshape3A_102 = vector.shape_cast %dot_general3A_101 : vector<128x128xf32> to vector<4x4x1x8x128xf32>
    %swap3A_103 = arith.constant 7 : index
    %swap3A_104 = arith.constant 0 : index
    %swap3A_105 = arith.constant 0 : index
    %swap3A_106 = arith.constant 0 : index
    %swap3A_107 = arith.constant 0 : index
    %swap3A_108 = arith.constant 0 : index
    %swap3A_109 = vector.load %arg2[%swap3A_103, %swap3A_104, %swap3A_105, %swap3A_106, %swap3A_107, %swap3A_108] : memref<50x4x4x1x8x128xf32, #tpu.memory_space<vmem>>, vector<1x4x4x1x8x128xf32>
    %swap3A_110 = vector.shape_cast %swap3A_109 : vector<1x4x4x1x8x128xf32> to vector<4x4x1x8x128xf32>
    %swap3A_111 = vector.shape_cast %reshape3A_102 : vector<4x4x1x8x128xf32> to vector<1x4x4x1x8x128xf32>
    tpu.vector_store %arg2[%swap3A_103, %swap3A_104, %swap3A_105, %swap3A_106, %swap3A_107, %swap3A_108], %swap3A_111 {strides = array<i32>} : memref<50x4x4x1x8x128xf32, #tpu.memory_space<vmem>>, vector<1x4x4x1x8x128xf32>,
    %slice3A_112 = vector.extract_strided_slice %reshape3A {offsets = [0, 8, 0], sizes = [128, 1, 128], strides = [1, 1, 1]} : vector<128x50x128xf32> to vector<128x1x128xf32>
    %squeeze3A_113 = vector.shape_cast %slice3A_112 : vector<128x1x128xf32> to vector<128x128xf32>
    %dot_general3A_114 = arith.constant dense<0.000000e+00> : vector<128x128xf32>
    %dot_general3A_115 = tpu.matmul %squeeze3A_113, %convert_element_type3A_1, %dot_general3A_114 {dimension_numbers = #tpu.dot_dimension_numbers<[0], [0], [1], [1], [0, 1, 1, 1], [], []>, transpose_lhs_hint = false} : vector<128x128xf32>, vector<128x128xf32>, vector<128x128xf32> -> vector<128x128xf32>
    %reshape3A_116 = vector.shape_cast %dot_general3A_115 : vector<128x128xf32> to vector<4x4x1x8x128xf32>
    %swap3A_117 = arith.constant 8 : index
    %swap3A_118 = arith.constant 0 : index
    %swap3A_119 = arith.constant 0 : index
    %swap3A_120 = arith.constant 0 : index
    %swap3A_121 = arith.constant 0 : index
    %swap3A_122 = arith.constant 0 : index
    %swap3A_123 = vector.load %arg2[%swap3A_117, %swap3A_118, %swap3A_119, %swap3A_120, %swap3A_121, %swap3A_122] : memref<50x4x4x1x8x128xf32, #tpu.memory_space<vmem>>, vector<1x4x4x1x8x128xf32>
    %swap3A_124 = vector.shape_cast %swap3A_123 : vector<1x4x4x1x8x128xf32> to vector<4x4x1x8x128xf32>
    %swap3A_125 = vector.shape_cast %reshape3A_116 : vector<4x4x1x8x128xf32> to vector<1x4x4x1x8x128xf32>
    tpu.vector_store %arg2[%swap3A_117, %swap3A_118, %swap3A_119, %swap3A_120, %swap3A_121, %swap3A_122], %swap3A_125 {strides = array<i32>} : memref<50x4x4x1x8x128xf32, #tpu.memory_space<vmem>>, vector<1x4x4x1x8x128xf32>,
    %slice3A_126 = vector.extract_strided_slice %reshape3A {offsets = [0, 9, 0], sizes = [128, 1, 128], strides = [1, 1, 1]} : vector<128x50x128xf32> to vector<128x1x128xf32>
    %squeeze3A_127 = vector.shape_cast %slice3A_126 : vector<128x1x128xf32> to vector<128x128xf32>
    %dot_general3A_128 = arith.constant dense<0.000000e+00> : vector<128x128xf32>
    %dot_general3A_129 = tpu.matmul %squeeze3A_127, %convert_element_type3A_1, %dot_general3A_128 {dimension_numbers = #tpu.dot_dimension_numbers<[0], [0], [1], [1], [0, 1, 1, 1], [], []>, transpose_lhs_hint = false} : vector<128x128xf32>, vector<128x128xf32>, vector<128x128xf32> -> vector<128x128xf32>
    %reshape3A_130 = vector.shape_cast %dot_general3A_129 : vector<128x128xf32> to vector<4x4x1x8x128xf32>
    %swap3A_131 = arith.constant 9 : index
    %swap3A_132 = arith.constant 0 : index
    %swap3A_133 = arith.constant 0 : index
    %swap3A_134 = arith.constant 0 : index
    %swap3A_135 = arith.constant 0 : index
    %swap3A_136 = arith.constant 0 : index
    %swap3A_137 = vector.load %arg2[%swap3A_131, %swap3A_132, %swap3A_133, %swap3A_134, %swap3A_135, %swap3A_136] : memref<50x4x4x1x8x128xf32, #tpu.memory_space<vmem>>, vector<1x4x4x1x8x128xf32>
    %swap3A_138 = vector.shape_cast %swap3A_137 : vector<1x4x4x1x8x128xf32> to vector<4x4x1x8x128xf32>
    %swap3A_139 = vector.shape_cast %reshape3A_130 : vector<4x4x1x8x128xf32> to vector<1x4x4x1x8x128xf32>
    tpu.vector_store %arg2[%swap3A_131, %swap3A_132, %swap3A_133, %swap3A_134, %swap3A_135, %swap3A_136], %swap3A_139 {strides = array<i32>} : memref<50x4x4x1x8x128xf32, #tpu.memory_space<vmem>>, vector<1x4x4x1x8x128xf32>,
    %slice3A_140 = vector.extract_strided_slice %reshape3A {offsets = [0, 10, 0], sizes = [128, 1, 128], strides = [1, 1, 1]} : vector<128x50x128xf32> to vector<128x1x128xf32>
    %squeeze3A_141 = vector.shape_cast %slice3A_140 : vector<128x1x128xf32> to vector<128x128xf32>
    %dot_general3A_142 = arith.constant dense<0.000000e+00> : vector<128x128xf32>
    %dot_general3A_143 = tpu.matmul %squeeze3A_141, %convert_element_type3A_1, %dot_general3A_142 {dimension_numbers = #tpu.dot_dimension_numbers<[0], [0], [1], [1], [0, 1, 1, 1], [], []>, transpose_lhs_hint = false} : vector<128x128xf32>, vector<128x128xf32>, vector<128x128xf32> -> vector<128x128xf32>
    %reshape3A_144 = vector.shape_cast %dot_general3A_143 : vector<128x128xf32> to vector<4x4x1x8x128xf32>
    %swap3A_145 = arith.constant 10 : index
    %swap3A_146 = arith.constant 0 : index
    %swap3A_147 = arith.constant 0 : index
    %swap3A_148 = arith.constant 0 : index
    %swap3A_149 = arith.constant 0 : index
    %swap3A_150 = arith.constant 0 : index
    %swap3A_151 = vector.load %arg2[%swap3A_145, %swap3A_146, %swap3A_147, %swap3A_148, %swap3A_149, %swap3A_150] : memref<50x4x4x1x8x128xf32, #tpu.memory_space<vmem>>, vector<1x4x4x1x8x128xf32>
    %swap3A_152 = vector.shape_cast %swap3A_151 : vector<1x4x4x1x8x128xf32> to vector<4x4x1x8x128xf32>
    %swap3A_153 = vector.shape_cast %reshape3A_144 : vector<4x4x1x8x128xf32> to vector<1x4x4x1x8x128xf32>
    tpu.vector_store %arg2[%swap3A_145, %swap3A_146, %swap3A_147, %swap3A_148, %swap3A_149, %swap3A_150], %swap3A_153 {strides = array<i32>} : memref<50x4x4x1x8x128xf32, #tpu.memory_space<vmem>>, vector<1x4x4x1x8x128xf32>,
    %slice3A_154 = vector.extract_strided_slice %reshape3A {offsets = [0, 11, 0], sizes = [128, 1, 128], strides = [1, 1, 1]} : vector<128x50x128xf32> to vector<128x1x128xf32>
    %squeeze3A_155 = vector.shape_cast %slice3A_154 : vector<128x1x128xf32> to vector<128x128xf32>
    %dot_general3A_156 = arith.constant dense<0.000000e+00> : vector<128x128xf32>
    %dot_general3A_157 = tpu.matmul %squeeze3A_155, %convert_element_type3A_1, %dot_general3A_156 {dimension_numbers = #tpu.dot_dimension_numbers<[0], [0], [1], [1], [0, 1, 1, 1], [], []>, transpose_lhs_hint = false} : vector<128x128xf32>, vector<128x128xf32>, vector<128x128xf32> -> vector<128x128xf32>
    %reshape3A_158 = vector.shape_cast %dot_general3A_157 : vector<128x128xf32> to vector<4x4x1x8x128xf32>
    %swap3A_159 = arith.constant 11 : index
    %swap3A_160 = arith.constant 0 : index
    %swap3A_161 = arith.constant 0 : index
    %swap3A_162 = arith.constant 0 : index
    %swap3A_163 = arith.constant 0 : index
    %swap3A_164 = arith.constant 0 : index
    %swap3A_165 = vector.load %arg2[%swap3A_159, %swap3A_160, %swap3A_161, %swap3A_162, %swap3A_163, %swap3A_164] : memref<50x4x4x1x8x128xf32, #tpu.memory_space<vmem>>, vector<1x4x4x1x8x128xf32>
    %swap3A_166 = vector.shape_cast %swap3A_165 : vector<1x4x4x1x8x128xf32> to vector<4x4x1x8x128xf32>
    %swap3A_167 = vector.shape_cast %reshape3A_158 : vector<4x4x1x8x128xf32> to vector<1x4x4x1x8x128xf32>
    tpu.vector_store %arg2[%swap3A_159, %swap3A_160, %swap3A_161, %swap3A_162, %swap3A_163, %swap3A_164], %swap3A_167 {strides = array<i32>} : memref<50x4x4x1x8x128xf32, #tpu.memory_space<vmem>>, vector<1x4x4x1x8x128xf32>,
    %slice3A_168 = vector.extract_strided_slice %reshape3A {offsets = [0, 12, 0], sizes = [128, 1, 128], strides = [1, 1, 1]} : vector<128x50x128xf32> to vector<128x1x128xf32>
    %squeeze3A_169 = vector.shape_cast %slice3A_168 : vector<128x1x128xf32> to vector<128x128xf32>
    %dot_general3A_170 = arith.constant dense<0.000000e+00> : vector<128x128xf32>
    %dot_general3A_171 = tpu.matmul %squeeze3A_169, %convert_element_type3A_1, %dot_general3A_170 {dimension_numbers = #tpu.dot_dimension_numbers<[0], [0], [1], [1], [0, 1, 1, 1], [], []>, transpose_lhs_hint = false} : vector<128x128xf32>, vector<128x128xf32>, vector<128x128xf32> -> vector<128x128xf32>
    %reshape3A_172 = vector.shape_cast %dot_general3A_171 : vector<128x128xf32> to vector<4x4x1x8x128xf32>
    %swap3A_173 = arith.constant 12 : index
    %swap3A_174 = arith.constant 0 : index
    %swap3A_175 = arith.constant 0 : index
    %swap3A_176 = arith.constant 0 : index
    %swap3A_177 = arith.constant 0 : index
    %swap3A_178 = arith.constant 0 : index
    %swap3A_179 = vector.load %arg2[%swap3A_173, %swap3A_174, %swap3A_175, %swap3A_176, %swap3A_177, %swap3A_178] : memref<50x4x4x1x8x128xf32, #tpu.memory_space<vmem>>, vector<1x4x4x1x8x128xf32>
    %swap3A_180 = vector.shape_cast %swap3A_179 : vector<1x4x4x1x8x128xf32> to vector<4x4x1x8x128xf32>
    %swap3A_181 = vector.shape_cast %reshape3A_172 : vector<4x4x1x8x128xf32> to vector<1x4x4x1x8x128xf32>
    tpu.vector_store %arg2[%swap3A_173, %swap3A_174, %swap3A_175, %swap3A_176, %swap3A_177, %swap3A_178], %swap3A_181 {strides = array<i32>} : memref<50x4x4x1x8x128xf32, #tpu.memory_space<vmem>>, vector<1x4x4x1x8x128xf32>,
    %slice3A_182 = vector.extract_strided_slice %reshape3A {offsets = [0, 13, 0], sizes = [128, 1, 128], strides = [1, 1, 1]} : vector<128x50x128xf32> to vector<128x1x128xf32>
    %squeeze3A_183 = vector.shape_cast %slice3A_182 : vector<128x1x128xf32> to vector<128x128xf32>
    %dot_general3A_184 = arith.constant dense<0.000000e+00> : vector<128x128xf32>
    %dot_general3A_185 = tpu.matmul %squeeze3A_183, %convert_element_type3A_1, %dot_general3A_184 {dimension_numbers = #tpu.dot_dimension_numbers<[0], [0], [1], [1], [0, 1, 1, 1], [], []>, transpose_lhs_hint = false} : vector<128x128xf32>, vector<128x128xf32>, vector<128x128xf32> -> vector<128x128xf32>
    %reshape3A_186 = vector.shape_cast %dot_general3A_185 : vector<128x128xf32> to vector<4x4x1x8x128xf32>
    %swap3A_187 = arith.constant 13 : index
    %swap3A_188 = arith.constant 0 : index
    %swap3A_189 = arith.constant 0 : index
    %swap3A_190 = arith.constant 0 : index
    %swap3A_191 = arith.constant 0 : index
    %swap3A_192 = arith.constant 0 : index
    %swap3A_193 = vector.load %arg2[%swap3A_187, %swap3A_188, %swap3A_189, %swap3A_190, %swap3A_191, %swap3A_192] : memref<50x4x4x1x8x128xf32, #tpu.memory_space<vmem>>, vector<1x4x4x1x8x128xf32>
    %swap3A_194 = vector.shape_cast %swap3A_193 : vector<1x4x4x1x8x128xf32> to vector<4x4x1x8x128xf32>
    %swap3A_195 = vector.shape_cast %reshape3A_186 : vector<4x4x1x8x128xf32> to vector<1x4x4x1x8x128xf32>
    tpu.vector_store %arg2[%swap3A_187, %swap3A_188, %swap3A_189, %swap3A_190, %swap3A_191, %swap3A_192], %swap3A_195 {strides = array<i32>} : memref<50x4x4x1x8x128xf32, #tpu.memory_space<vmem>>, vector<1x4x4x1x8x128xf32>,
    %slice3A_196 = vector.extract_strided_slice %reshape3A {offsets = [0, 14, 0], sizes = [128, 1, 128], strides = [1, 1, 1]} : vector<128x50x128xf32> to vector<128x1x128xf32>
    %squeeze3A_197 = vector.shape_cast %slice3A_196 : vector<128x1x128xf32> to vector<128x128xf32>
    %dot_general3A_198 = arith.constant dense<0.000000e+00> : vector<128x128xf32>
    %dot_general3A_199 = tpu.matmul %squeeze3A_197, %convert_element_type3A_1, %dot_general3A_198 {dimension_numbers = #tpu.dot_dimension_numbers<[0], [0], [1], [1], [0, 1, 1, 1], [], []>, transpose_lhs_hint = false} : vector<128x128xf32>, vector<128x128xf32>, vector<128x128xf32> -> vector<128x128xf32>
    %reshape3A_200 = vector.shape_cast %dot_general3A_199 : vector<128x128xf32> to vector<4x4x1x8x128xf32>
    %swap3A_201 = arith.constant 14 : index
    %swap3A_202 = arith.constant 0 : index
    %swap3A_203 = arith.constant 0 : index
    %swap3A_204 = arith.constant 0 : index
    %swap3A_205 = arith.constant 0 : index
    %swap3A_206 = arith.constant 0 : index
    %swap3A_207 = vector.load %arg2[%swap3A_201, %swap3A_202, %swap3A_203, %swap3A_204, %swap3A_205, %swap3A_206] : memref<50x4x4x1x8x128xf32, #tpu.memory_space<vmem>>, vector<1x4x4x1x8x128xf32>
    %swap3A_208 = vector.shape_cast %swap3A_207 : vector<1x4x4x1x8x128xf32> to vector<4x4x1x8x128xf32>
    %swap3A_209 = vector.shape_cast %reshape3A_200 : vector<4x4x1x8x128xf32> to vector<1x4x4x1x8x128xf32>
    tpu.vector_store %arg2[%swap3A_201, %swap3A_202, %swap3A_203, %swap3A_204, %swap3A_205, %swap3A_206], %swap3A_209 {strides = array<i32>} : memref<50x4x4x1x8x128xf32, #tpu.memory_space<vmem>>, vector<1x4x4x1x8x128xf32>,
    %slice3A_210 = vector.extract_strided_slice %reshape3A {offsets = [0, 15, 0], sizes = [128, 1, 128], strides = [1, 1, 1]} : vector<128x50x128xf32> to vector<128x1x128xf32>
    %squeeze3A_211 = vector.shape_cast %slice3A_210 : vector<128x1x128xf32> to vector<128x128xf32>
    %dot_general3A_212 = arith.constant dense<0.000000e+00> : vector<128x128xf32>
    %dot_general3A_213 = tpu.matmul %squeeze3A_211, %convert_element_type3A_1, %dot_general3A_212 {dimension_numbers = #tpu.dot_dimension_numbers<[0], [0], [1], [1], [0, 1, 1, 1], [], []>, transpose_lhs_hint = false} : vector<128x128xf32>, vector<128x128xf32>, vector<128x128xf32> -> vector<128x128xf32>
    %reshape3A_214 = vector.shape_cast %dot_general3A_213 : vector<128x128xf32> to vector<4x4x1x8x128xf32>
    %swap3A_215 = arith.constant 15 : index
    %swap3A_216 = arith.constant 0 : index
    %swap3A_217 = arith.constant 0 : index
    %swap3A_218 = arith.constant 0 : index
    %swap3A_219 = arith.constant 0 : index
    %swap3A_220 = arith.constant 0 : index
    %swap3A_221 = vector.load %arg2[%swap3A_215, %swap3A_216, %swap3A_217, %swap3A_218, %swap3A_219, %swap3A_220] : memref<50x4x4x1x8x128xf32, #tpu.memory_space<vmem>>, vector<1x4x4x1x8x128xf32>
    %swap3A_222 = vector.shape_cast %swap3A_221 : vector<1x4x4x1x8x128xf32> to vector<4x4x1x8x128xf32>
    %swap3A_223 = vector.shape_cast %reshape3A_214 : vector<4x4x1x8x128xf32> to vector<1x4x4x1x8x128xf32>
    tpu.vector_store %arg2[%swap3A_215, %swap3A_216, %swap3A_217, %swap3A_218, %swap3A_219, %swap3A_220], %swap3A_223 {strides = array<i32>} : memref<50x4x4x1x8x128xf32, #tpu.memory_space<vmem>>, vector<1x4x4x1x8x128xf32>,
    %slice3A_224 = vector.extract_strided_slice %reshape3A {offsets = [0, 16, 0], sizes = [128, 1, 128], strides = [1, 1, 1]} : vector<128x50x128xf32> to vector<128x1x128xf32>
    %squeeze3A_225 = vector.shape_cast %slice3A_224 : vector<128x1x128xf32> to vector<128x128xf32>
    %dot_general3A_226 = arith.constant dense<0.000000e+00> : vector<128x128xf32>
    %dot_general3A_227 = tpu.matmul %squeeze3A_225, %convert_element_type3A_1, %dot_general3A_226 {dimension_numbers = #tpu.dot_dimension_numbers<[0], [0], [1], [1], [0, 1, 1, 1], [], []>, transpose_lhs_hint = false} : vector<128x128xf32>, vector<128x128xf32>, vector<128x128xf32> -> vector<128x128xf32>
    %reshape3A_228 = vector.shape_cast %dot_general3A_227 : vector<128x128xf32> to vector<4x4x1x8x128xf32>
    %swap3A_229 = arith.constant 16 : index
    %swap3A_230 = arith.constant 0 : index
    %swap3A_231 = arith.constant 0 : index
    %swap3A_232 = arith.constant 0 : index
    %swap3A_233 = arith.constant 0 : index
    %swap3A_234 = arith.constant 0 : index
    %swap3A_235 = vector.load %arg2[%swap3A_229, %swap3A_230, %swap3A_231, %swap3A_232, %swap3A_233, %swap3A_234] : memref<50x4x4x1x8x128xf32, #tpu.memory_space<vmem>>, vector<1x4x4x1x8x128xf32>
    %swap3A_236 = vector.shape_cast %swap3A_235 : vector<1x4x4x1x8x128xf32> to vector<4x4x1x8x128xf32>
    %swap3A_237 = vector.shape_cast %reshape3A_228 : vector<4x4x1x8x128xf32> to vector<1x4x4x1x8x128xf32>
    tpu.vector_store %arg2[%swap3A_229, %swap3A_230, %swap3A_231, %swap3A_232, %swap3A_233, %swap3A_234], %swap3A_237 {strides = array<i32>} : memref<50x4x4x1x8x128xf32, #tpu.memory_space<vmem>>, vector<1x4x4x1x8x128xf32>,
    %slice3A_238 = vector.extract_strided_slice %reshape3A {offsets = [0, 17, 0], sizes = [128, 1, 128], strides = [1, 1, 1]} : vector<128x50x128xf32> to vector<128x1x128xf32>
    %squeeze3A_239 = vector.shape_cast %slice3A_238 : vector<128x1x128xf32> to vector<128x128xf32>
    %dot_general3A_240 = arith.constant dense<0.000000e+00> : vector<128x128xf32>
    %dot_general3A_241 = tpu.matmul %squeeze3A_239, %convert_element_type3A_1, %dot_general3A_240 {dimension_numbers = #tpu.dot_dimension_numbers<[0], [0], [1], [1], [0, 1, 1, 1], [], []>, transpose_lhs_hint = false} : vector<128x128xf32>, vector<128x128xf32>, vector<128x128xf32> -> vector<128x128xf32>
    %reshape3A_242 = vector.shape_cast %dot_general3A_241 : vector<128x128xf32> to vector<4x4x1x8x128xf32>
    %swap3A_243 = arith.constant 17 : index
    %swap3A_244 = arith.constant 0 : index
    %swap3A_245 = arith.constant 0 : index
    %swap3A_246 = arith.constant 0 : index
    %swap3A_247 = arith.constant 0 : index
    %swap3A_248 = arith.constant 0 : index
    %swap3A_249 = vector.load %arg2[%swap3A_243, %swap3A_244, %swap3A_245, %swap3A_246, %swap3A_247, %swap3A_248] : memref<50x4x4x1x8x128xf32, #tpu.memory_space<vmem>>, vector<1x4x4x1x8x128xf32>
    %swap3A_250 = vector.shape_cast %swap3A_249 : vector<1x4x4x1x8x128xf32> to vector<4x4x1x8x128xf32>
    %swap3A_251 = vector.shape_cast %reshape3A_242 : vector<4x4x1x8x128xf32> to vector<1x4x4x1x8x128xf32>
    tpu.vector_store %arg2[%swap3A_243, %swap3A_244, %swap3A_245, %swap3A_246, %swap3A_247, %swap3A_248], %swap3A_251 {strides = array<i32>} : memref<50x4x4x1x8x128xf32, #tpu.memory_space<vmem>>, vector<1x4x4x1x8x128xf32>,
    %slice3A_252 = vector.extract_strided_slice %reshape3A {offsets = [0, 18, 0], sizes = [128, 1, 128], strides = [1, 1, 1]} : vector<128x50x128xf32> to vector<128x1x128xf32>
    %squeeze3A_253 = vector.shape_cast %slice3A_252 : vector<128x1x128xf32> to vector<128x128xf32>
    %dot_general3A_254 = arith.constant dense<0.000000e+00> : vector<128x128xf32>
    %dot_general3A_255 = tpu.matmul %squeeze3A_253, %convert_element_type3A_1, %dot_general3A_254 {dimension_numbers = #tpu.dot_dimension_numbers<[0], [0], [1], [1], [0, 1, 1, 1], [], []>, transpose_lhs_hint = false} : vector<128x128xf32>, vector<128x128xf32>, vector<128x128xf32> -> vector<128x128xf32>
    %reshape3A_256 = vector.shape_cast %dot_general3A_255 : vector<128x128xf32> to vector<4x4x1x8x128xf32>
    %swap3A_257 = arith.constant 18 : index
    %swap3A_258 = arith.constant 0 : index
    %swap3A_259 = arith.constant 0 : index
    %swap3A_260 = arith.constant 0 : index
    %swap3A_261 = arith.constant 0 : index
    %swap3A_262 = arith.constant 0 : index
    %swap3A_263 = vector.load %arg2[%swap3A_257, %swap3A_258, %swap3A_259, %swap3A_260, %swap3A_261, %swap3A_262] : memref<50x4x4x1x8x128xf32, #tpu.memory_space<vmem>>, vector<1x4x4x1x8x128xf32>
    %swap3A_264 = vector.shape_cast %swap3A_263 : vector<1x4x4x1x8x128xf32> to vector<4x4x1x8x128xf32>
    %swap3A_265 = vector.shape_cast %reshape3A_256 : vector<4x4x1x8x128xf32> to vector<1x4x4x1x8x128xf32>
    tpu.vector_store %arg2[%swap3A_257, %swap3A_258, %swap3A_259, %swap3A_260, %swap3A_261, %swap3A_262], %swap3A_265 {strides = array<i32>} : memref<50x4x4x1x8x128xf32, #tpu.memory_space<vmem>>, vector<1x4x4x1x8x128xf32>,
    %slice3A_266 = vector.extract_strided_slice %reshape3A {offsets = [0, 19, 0], sizes = [128, 1, 128], strides = [1, 1, 1]} : vector<128x50x128xf32> to vector<128x1x128xf32>
    %squeeze3A_267 = vector.shape_cast %slice3A_266 : vector<128x1x128xf32> to vector<128x128xf32>
    %dot_general3A_268 = arith.constant dense<0.000000e+00> : vector<128x128xf32>
    %dot_general3A_269 = tpu.matmul %squeeze3A_267, %convert_element_type3A_1, %dot_general3A_268 {dimension_numbers = #tpu.dot_dimension_numbers<[0], [0], [1], [1], [0, 1, 1, 1], [], []>, transpose_lhs_hint = false} : vector<128x128xf32>, vector<128x128xf32>, vector<128x128xf32> -> vector<128x128xf32>
    %reshape3A_270 = vector.shape_cast %dot_general3A_269 : vector<128x128xf32> to vector<4x4x1x8x128xf32>
    %swap3A_271 = arith.constant 19 : index
    %swap3A_272 = arith.constant 0 : index
    %swap3A_273 = arith.constant 0 : index
    %swap3A_274 = arith.constant 0 : index
    %swap3A_275 = arith.constant 0 : index
    %swap3A_276 = arith.constant 0 : index
    %swap3A_277 = vector.load %arg2[%swap3A_271, %swap3A_272, %swap3A_273, %swap3A_274, %swap3A_275, %swap3A_276] : memref<50x4x4x1x8x128xf32, #tpu.memory_space<vmem>>, vector<1x4x4x1x8x128xf32>
    %swap3A_278 = vector.shape_cast %swap3A_277 : vector<1x4x4x1x8x128xf32> to vector<4x4x1x8x128xf32>
    %swap3A_279 = vector.shape_cast %reshape3A_270 : vector<4x4x1x8x128xf32> to vector<1x4x4x1x8x128xf32>
    tpu.vector_store %arg2[%swap3A_271, %swap3A_272, %swap3A_273, %swap3A_274, %swap3A_275, %swap3A_276], %swap3A_279 {strides = array<i32>} : memref<50x4x4x1x8x128xf32, #tpu.memory_space<vmem>>, vector<1x4x4x1x8x128xf32>,
    %slice3A_280 = vector.extract_strided_slice %reshape3A {offsets = [0, 20, 0], sizes = [128, 1, 128], strides = [1, 1, 1]} : vector<128x50x128xf32> to vector<128x1x128xf32>
    %squeeze3A_281 = vector.shape_cast %slice3A_280 : vector<128x1x128xf32> to vector<128x128xf32>
    %dot_general3A_282 = arith.constant dense<0.000000e+00> : vector<128x128xf32>
    %dot_general3A_283 = tpu.matmul %squeeze3A_281, %convert_element_type3A_1, %dot_general3A_282 {dimension_numbers = #tpu.dot_dimension_numbers<[0], [0], [1], [1], [0, 1, 1, 1], [], []>, transpose_lhs_hint = false} : vector<128x128xf32>, vector<128x128xf32>, vector<128x128xf32> -> vector<128x128xf32>
    %reshape3A_284 = vector.shape_cast %dot_general3A_283 : vector<128x128xf32> to vector<4x4x1x8x128xf32>
    %swap3A_285 = arith.constant 20 : index
    %swap3A_286 = arith.constant 0 : index
    %swap3A_287 = arith.constant 0 : index
    %swap3A_288 = arith.constant 0 : index
    %swap3A_289 = arith.constant 0 : index
    %swap3A_290 = arith.constant 0 : index
    %swap3A_291 = vector.load %arg2[%swap3A_285, %swap3A_286, %swap3A_287, %swap3A_288, %swap3A_289, %swap3A_290] : memref<50x4x4x1x8x128xf32, #tpu.memory_space<vmem>>, vector<1x4x4x1x8x128xf32>
    %swap3A_292 = vector.shape_cast %swap3A_291 : vector<1x4x4x1x8x128xf32> to vector<4x4x1x8x128xf32>
    %swap3A_293 = vector.shape_cast %reshape3A_284 : vector<4x4x1x8x128xf32> to vector<1x4x4x1x8x128xf32>
    tpu.vector_store %arg2[%swap3A_285, %swap3A_286, %swap3A_287, %swap3A_288, %swap3A_289, %swap3A_290], %swap3A_293 {strides = array<i32>} : memref<50x4x4x1x8x128xf32, #tpu.memory_space<vmem>>, vector<1x4x4x1x8x128xf32>,
    %slice3A_294 = vector.extract_strided_slice %reshape3A {offsets = [0, 21, 0], sizes = [128, 1, 128], strides = [1, 1, 1]} : vector<128x50x128xf32> to vector<128x1x128xf32>
    %squeeze3A_295 = vector.shape_cast %slice3A_294 : vector<128x1x128xf32> to vector<128x128xf32>
    %dot_general3A_296 = arith.constant dense<0.000000e+00> : vector<128x128xf32>
    %dot_general3A_297 = tpu.matmul %squeeze3A_295, %convert_element_type3A_1, %dot_general3A_296 {dimension_numbers = #tpu.dot_dimension_numbers<[0], [0], [1], [1], [0, 1, 1, 1], [], []>, transpose_lhs_hint = false} : vector<128x128xf32>, vector<128x128xf32>, vector<128x128xf32> -> vector<128x128xf32>
    %reshape3A_298 = vector.shape_cast %dot_general3A_297 : vector<128x128xf32> to vector<4x4x1x8x128xf32>
    %swap3A_299 = arith.constant 21 : index
    %swap3A_300 = arith.constant 0 : index
    %swap3A_301 = arith.constant 0 : index
    %swap3A_302 = arith.constant 0 : index
    %swap3A_303 = arith.constant 0 : index
    %swap3A_304 = arith.constant 0 : index
    %swap3A_305 = vector.load %arg2[%swap3A_299, %swap3A_300, %swap3A_301, %swap3A_302, %swap3A_303, %swap3A_304] : memref<50x4x4x1x8x128xf32, #tpu.memory_space<vmem>>, vector<1x4x4x1x8x128xf32>
    %swap3A_306 = vector.shape_cast %swap3A_305 : vector<1x4x4x1x8x128xf32> to vector<4x4x1x8x128xf32>
    %swap3A_307 = vector.shape_cast %reshape3A_298 : vector<4x4x1x8x128xf32> to vector<1x4x4x1x8x128xf32>
    tpu.vector_store %arg2[%swap3A_299, %swap3A_300, %swap3A_301, %swap3A_302, %swap3A_303, %swap3A_304], %swap3A_307 {strides = array<i32>} : memref<50x4x4x1x8x128xf32, #tpu.memory_space<vmem>>, vector<1x4x4x1x8x128xf32>,
    %slice3A_308 = vector.extract_strided_slice %reshape3A {offsets = [0, 22, 0], sizes = [128, 1, 128], strides = [1, 1, 1]} : vector<128x50x128xf32> to vector<128x1x128xf32>
    %squeeze3A_309 = vector.shape_cast %slice3A_308 : vector<128x1x128xf32> to vector<128x128xf32>
    %dot_general3A_310 = arith.constant dense<0.000000e+00> : vector<128x128xf32>
    %dot_general3A_311 = tpu.matmul %squeeze3A_309, %convert_element_type3A_1, %dot_general3A_310 {dimension_numbers = #tpu.dot_dimension_numbers<[0], [0], [1], [1], [0, 1, 1, 1], [], []>, transpose_lhs_hint = false} : vector<128x128xf32>, vector<128x128xf32>, vector<128x128xf32> -> vector<128x128xf32>
    %reshape3A_312 = vector.shape_cast %dot_general3A_311 : vector<128x128xf32> to vector<4x4x1x8x128xf32>
    %swap3A_313 = arith.constant 22 : index
    %swap3A_314 = arith.constant 0 : index
    %swap3A_315 = arith.constant 0 : index
    %swap3A_316 = arith.constant 0 : index
    %swap3A_317 = arith.constant 0 : index
    %swap3A_318 = arith.constant 0 : index
    %swap3A_319 = vector.load %arg2[%swap3A_313, %swap3A_314, %swap3A_315, %swap3A_316, %swap3A_317, %swap3A_318] : memref<50x4x4x1x8x128xf32, #tpu.memory_space<vmem>>, vector<1x4x4x1x8x128xf32>
    %swap3A_320 = vector.shape_cast %swap3A_319 : vector<1x4x4x1x8x128xf32> to vector<4x4x1x8x128xf32>
    %swap3A_321 = vector.shape_cast %reshape3A_312 : vector<4x4x1x8x128xf32> to vector<1x4x4x1x8x128xf32>
    tpu.vector_store %arg2[%swap3A_313, %swap3A_314, %swap3A_315, %swap3A_316, %swap3A_317, %swap3A_318], %swap3A_321 {strides = array<i32>} : memref<50x4x4x1x8x128xf32, #tpu.memory_space<vmem>>, vector<1x4x4x1x8x128xf32>,
    %slice3A_322 = vector.extract_strided_slice %reshape3A {offsets = [0, 23, 0], sizes = [128, 1, 128], strides = [1, 1, 1]} : vector<128x50x128xf32> to vector<128x1x128xf32>
    %squeeze3A_323 = vector.shape_cast %slice3A_322 : vector<128x1x128xf32> to vector<128x128xf32>
    %dot_general3A_324 = arith.constant dense<0.000000e+00> : vector<128x128xf32>
    %dot_general3A_325 = tpu.matmul %squeeze3A_323, %convert_element_type3A_1, %dot_general3A_324 {dimension_numbers = #tpu.dot_dimension_numbers<[0], [0], [1], [1], [0, 1, 1, 1], [], []>, transpose_lhs_hint = false} : vector<128x128xf32>, vector<128x128xf32>, vector<128x128xf32> -> vector<128x128xf32>
    %reshape3A_326 = vector.shape_cast %dot_general3A_325 : vector<128x128xf32> to vector<4x4x1x8x128xf32>
    %swap3A_327 = arith.constant 23 : index
    %swap3A_328 = arith.constant 0 : index
    %swap3A_329 = arith.constant 0 : index
    %swap3A_330 = arith.constant 0 : index
    %swap3A_331 = arith.constant 0 : index
    %swap3A_332 = arith.constant 0 : index
    %swap3A_333 = vector.load %arg2[%swap3A_327, %swap3A_328, %swap3A_329, %swap3A_330, %swap3A_331, %swap3A_332] : memref<50x4x4x1x8x128xf32, #tpu.memory_space<vmem>>, vector<1x4x4x1x8x128xf32>
    %swap3A_334 = vector.shape_cast %swap3A_333 : vector<1x4x4x1x8x128xf32> to vector<4x4x1x8x128xf32>
    %swap3A_335 = vector.shape_cast %reshape3A_326 : vector<4x4x1x8x128xf32> to vector<1x4x4x1x8x128xf32>
    tpu.vector_store %arg2[%swap3A_327, %swap3A_328, %swap3A_329, %swap3A_330, %swap3A_331, %swap3A_332], %swap3A_335 {strides = array<i32>} : memref<50x4x4x1x8x128xf32, #tpu.memory_space<vmem>>, vector<1x4x4x1x8x128xf32>,
    %slice3A_336 = vector.extract_strided_slice %reshape3A {offsets = [0, 24, 0], sizes = [128, 1, 128], strides = [1, 1, 1]} : vector<128x50x128xf32> to vector<128x1x128xf32>
    %squeeze3A_337 = vector.shape_cast %slice3A_336 : vector<128x1x128xf32> to vector<128x128xf32>
    %dot_general3A_338 = arith.constant dense<0.000000e+00> : vector<128x128xf32>
    %dot_general3A_339 = tpu.matmul %squeeze3A_337, %convert_element_type3A_1, %dot_general3A_338 {dimension_numbers = #tpu.dot_dimension_numbers<[0], [0], [1], [1], [0, 1, 1, 1], [], []>, transpose_lhs_hint = false} : vector<128x128xf32>, vector<128x128xf32>, vector<128x128xf32> -> vector<128x128xf32>
    %reshape3A_340 = vector.shape_cast %dot_general3A_339 : vector<128x128xf32> to vector<4x4x1x8x128xf32>
    %swap3A_341 = arith.constant 24 : index
    %swap3A_342 = arith.constant 0 : index
    %swap3A_343 = arith.constant 0 : index
    %swap3A_344 = arith.constant 0 : index
    %swap3A_345 = arith.constant 0 : index
    %swap3A_346 = arith.constant 0 : index
    %swap3A_347 = vector.load %arg2[%swap3A_341, %swap3A_342, %swap3A_343, %swap3A_344, %swap3A_345, %swap3A_346] : memref<50x4x4x1x8x128xf32, #tpu.memory_space<vmem>>, vector<1x4x4x1x8x128xf32>
    %swap3A_348 = vector.shape_cast %swap3A_347 : vector<1x4x4x1x8x128xf32> to vector<4x4x1x8x128xf32>
    %swap3A_349 = vector.shape_cast %reshape3A_340 : vector<4x4x1x8x128xf32> to vector<1x4x4x1x8x128xf32>
    tpu.vector_store %arg2[%swap3A_341, %swap3A_342, %swap3A_343, %swap3A_344, %swap3A_345, %swap3A_346], %swap3A_349 {strides = array<i32>} : memref<50x4x4x1x8x128xf32, #tpu.memory_space<vmem>>, vector<1x4x4x1x8x128xf32>,
    %slice3A_350 = vector.extract_strided_slice %reshape3A {offsets = [0, 25, 0], sizes = [128, 1, 128], strides = [1, 1, 1]} : vector<128x50x128xf32> to vector<128x1x128xf32>
    %squeeze3A_351 = vector.shape_cast %slice3A_350 : vector<128x1x128xf32> to vector<128x128xf32>
    %dot_general3A_352 = arith.constant dense<0.000000e+00> : vector<128x128xf32>
    %dot_general3A_353 = tpu.matmul %squeeze3A_351, %convert_element_type3A_1, %dot_general3A_352 {dimension_numbers = #tpu.dot_dimension_numbers<[0], [0], [1], [1], [0, 1, 1, 1], [], []>, transpose_lhs_hint = false} : vector<128x128xf32>, vector<128x128xf32>, vector<128x128xf32> -> vector<128x128xf32>
    %reshape3A_354 = vector.shape_cast %dot_general3A_353 : vector<128x128xf32> to vector<4x4x1x8x128xf32>
    %swap3A_355 = arith.constant 25 : index
    %swap3A_356 = arith.constant 0 : index
    %swap3A_357 = arith.constant 0 : index
    %swap3A_358 = arith.constant 0 : index
    %swap3A_359 = arith.constant 0 : index
    %swap3A_360 = arith.constant 0 : index
    %swap3A_361 = vector.load %arg2[%swap3A_355, %swap3A_356, %swap3A_357, %swap3A_358, %swap3A_359, %swap3A_360] : memref<50x4x4x1x8x128xf32, #tpu.memory_space<vmem>>, vector<1x4x4x1x8x128xf32>
    %swap3A_362 = vector.shape_cast %swap3A_361 : vector<1x4x4x1x8x128xf32> to vector<4x4x1x8x128xf32>
    %swap3A_363 = vector.shape_cast %reshape3A_354 : vector<4x4x1x8x128xf32> to vector<1x4x4x1x8x128xf32>
    tpu.vector_store %arg2[%swap3A_355, %swap3A_356, %swap3A_357, %swap3A_358, %swap3A_359, %swap3A_360], %swap3A_363 {strides = array<i32>} : memref<50x4x4x1x8x128xf32, #tpu.memory_space<vmem>>, vector<1x4x4x1x8x128xf32>,
    %slice3A_364 = vector.extract_strided_slice %reshape3A {offsets = [0, 26, 0], sizes = [128, 1, 128], strides = [1, 1, 1]} : vector<128x50x128xf32> to vector<128x1x128xf32>
    %squeeze3A_365 = vector.shape_cast %slice3A_364 : vector<128x1x128xf32> to vector<128x128xf32>
    %dot_general3A_366 = arith.constant dense<0.000000e+00> : vector<128x128xf32>
    %dot_general3A_367 = tpu.matmul %squeeze3A_365, %convert_element_type3A_1, %dot_general3A_366 {dimension_numbers = #tpu.dot_dimension_numbers<[0], [0], [1], [1], [0, 1, 1, 1], [], []>, transpose_lhs_hint = false} : vector<128x128xf32>, vector<128x128xf32>, vector<128x128xf32> -> vector<128x128xf32>
    %reshape3A_368 = vector.shape_cast %dot_general3A_367 : vector<128x128xf32> to vector<4x4x1x8x128xf32>
    %swap3A_369 = arith.constant 26 : index
    %swap3A_370 = arith.constant 0 : index
    %swap3A_371 = arith.constant 0 : index
    %swap3A_372 = arith.constant 0 : index
    %swap3A_373 = arith.constant 0 : index
    %swap3A_374 = arith.constant 0 : index
    %swap3A_375 = vector.load %arg2[%swap3A_369, %swap3A_370, %swap3A_371, %swap3A_372, %swap3A_373, %swap3A_374] : memref<50x4x4x1x8x128xf32, #tpu.memory_space<vmem>>, vector<1x4x4x1x8x128xf32>
    %swap3A_376 = vector.shape_cast %swap3A_375 : vector<1x4x4x1x8x128xf32> to vector<4x4x1x8x128xf32>
    %swap3A_377 = vector.shape_cast %reshape3A_368 : vector<4x4x1x8x128xf32> to vector<1x4x4x1x8x128xf32>
    tpu.vector_store %arg2[%swap3A_369, %swap3A_370, %swap3A_371, %swap3A_372, %swap3A_373, %swap3A_374], %swap3A_377 {strides = array<i32>} : memref<50x4x4x1x8x128xf32, #tpu.memory_space<vmem>>, vector<1x4x4x1x8x128xf32>,
    %slice3A_378 = vector.extract_strided_slice %reshape3A {offsets = [0, 27, 0], sizes = [128, 1, 128], strides = [1, 1, 1]} : vector<128x50x128xf32> to vector<128x1x128xf32>
    %squeeze3A_379 = vector.shape_cast %slice3A_378 : vector<128x1x128xf32> to vector<128x128xf32>
    %dot_general3A_380 = arith.constant dense<0.000000e+00> : vector<128x128xf32>
    %dot_general3A_381 = tpu.matmul %squeeze3A_379, %convert_element_type3A_1, %dot_general3A_380 {dimension_numbers = #tpu.dot_dimension_numbers<[0], [0], [1], [1], [0, 1, 1, 1], [], []>, transpose_lhs_hint = false} : vector<128x128xf32>, vector<128x128xf32>, vector<128x128xf32> -> vector<128x128xf32>
    %reshape3A_382 = vector.shape_cast %dot_general3A_381 : vector<128x128xf32> to vector<4x4x1x8x128xf32>
    %swap3A_383 = arith.constant 27 : index
    %swap3A_384 = arith.constant 0 : index
    %swap3A_385 = arith.constant 0 : index
    %swap3A_386 = arith.constant 0 : index
    %swap3A_387 = arith.constant 0 : index
    %swap3A_388 = arith.constant 0 : index
    %swap3A_389 = vector.load %arg2[%swap3A_383, %swap3A_384, %swap3A_385, %swap3A_386, %swap3A_387, %swap3A_388] : memref<50x4x4x1x8x128xf32, #tpu.memory_space<vmem>>, vector<1x4x4x1x8x128xf32>
    %swap3A_390 = vector.shape_cast %swap3A_389 : vector<1x4x4x1x8x128xf32> to vector<4x4x1x8x128xf32>
    %swap3A_391 = vector.shape_cast %reshape3A_382 : vector<4x4x1x8x128xf32> to vector<1x4x4x1x8x128xf32>
    tpu.vector_store %arg2[%swap3A_383, %swap3A_384, %swap3A_385, %swap3A_386, %swap3A_387, %swap3A_388], %swap3A_391 {strides = array<i32>} : memref<50x4x4x1x8x128xf32, #tpu.memory_space<vmem>>, vector<1x4x4x1x8x128xf32>,
    %slice3A_392 = vector.extract_strided_slice %reshape3A {offsets = [0, 28, 0], sizes = [128, 1, 128], strides = [1, 1, 1]} : vector<128x50x128xf32> to vector<128x1x128xf32>
    %squeeze3A_393 = vector.shape_cast %slice3A_392 : vector<128x1x128xf32> to vector<128x128xf32>
    %dot_general3A_394 = arith.constant dense<0.000000e+00> : vector<128x128xf32>
    %dot_general3A_395 = tpu.matmul %squeeze3A_393, %convert_element_type3A_1, %dot_general3A_394 {dimension_numbers = #tpu.dot_dimension_numbers<[0], [0], [1], [1], [0, 1, 1, 1], [], []>, transpose_lhs_hint = false} : vector<128x128xf32>, vector<128x128xf32>, vector<128x128xf32> -> vector<128x128xf32>
    %reshape3A_396 = vector.shape_cast %dot_general3A_395 : vector<128x128xf32> to vector<4x4x1x8x128xf32>
    %swap3A_397 = arith.constant 28 : index
    %swap3A_398 = arith.constant 0 : index
    %swap3A_399 = arith.constant 0 : index
    %swap3A_400 = arith.constant 0 : index
    %swap3A_401 = arith.constant 0 : index
    %swap3A_402 = arith.constant 0 : index
    %swap3A_403 = vector.load %arg2[%swap3A_397, %swap3A_398, %swap3A_399, %swap3A_400, %swap3A_401, %swap3A_402] : memref<50x4x4x1x8x128xf32, #tpu.memory_space<vmem>>, vector<1x4x4x1x8x128xf32>
    %swap3A_404 = vector.shape_cast %swap3A_403 : vector<1x4x4x1x8x128xf32> to vector<4x4x1x8x128xf32>
    %swap3A_405 = vector.shape_cast %reshape3A_396 : vector<4x4x1x8x128xf32> to vector<1x4x4x1x8x128xf32>
    tpu.vector_store %arg2[%swap3A_397, %swap3A_398, %swap3A_399, %swap3A_400, %swap3A_401, %swap3A_402], %swap3A_405 {strides = array<i32>} : memref<50x4x4x1x8x128xf32, #tpu.memory_space<vmem>>, vector<1x4x4x1x8x128xf32>,
    %slice3A_406 = vector.extract_strided_slice %reshape3A {offsets = [0, 29, 0], sizes = [128, 1, 128], strides = [1, 1, 1]} : vector<128x50x128xf32> to vector<128x1x128xf32>
    %squeeze3A_407 = vector.shape_cast %slice3A_406 : vector<128x1x128xf32> to vector<128x128xf32>
    %dot_general3A_408 = arith.constant dense<0.000000e+00> : vector<128x128xf32>
    %dot_general3A_409 = tpu.matmul %squeeze3A_407, %convert_element_type3A_1, %dot_general3A_408 {dimension_numbers = #tpu.dot_dimension_numbers<[0], [0], [1], [1], [0, 1, 1, 1], [], []>, transpose_lhs_hint = false} : vector<128x128xf32>, vector<128x128xf32>, vector<128x128xf32> -> vector<128x128xf32>
    %reshape3A_410 = vector.shape_cast %dot_general3A_409 : vector<128x128xf32> to vector<4x4x1x8x128xf32>
    %swap3A_411 = arith.constant 29 : index
    %swap3A_412 = arith.constant 0 : index
    %swap3A_413 = arith.constant 0 : index
    %swap3A_414 = arith.constant 0 : index
    %swap3A_415 = arith.constant 0 : index
    %swap3A_416 = arith.constant 0 : index
    %swap3A_417 = vector.load %arg2[%swap3A_411, %swap3A_412, %swap3A_413, %swap3A_414, %swap3A_415, %swap3A_416] : memref<50x4x4x1x8x128xf32, #tpu.memory_space<vmem>>, vector<1x4x4x1x8x128xf32>
    %swap3A_418 = vector.shape_cast %swap3A_417 : vector<1x4x4x1x8x128xf32> to vector<4x4x1x8x128xf32>
    %swap3A_419 = vector.shape_cast %reshape3A_410 : vector<4x4x1x8x128xf32> to vector<1x4x4x1x8x128xf32>
    tpu.vector_store %arg2[%swap3A_411, %swap3A_412, %swap3A_413, %swap3A_414, %swap3A_415, %swap3A_416], %swap3A_419 {strides = array<i32>} : memref<50x4x4x1x8x128xf32, #tpu.memory_space<vmem>>, vector<1x4x4x1x8x128xf32>,
    %slice3A_420 = vector.extract_strided_slice %reshape3A {offsets = [0, 30, 0], sizes = [128, 1, 128], strides = [1, 1, 1]} : vector<128x50x128xf32> to vector<128x1x128xf32>
    %squeeze3A_421 = vector.shape_cast %slice3A_420 : vector<128x1x128xf32> to vector<128x128xf32>
    %dot_general3A_422 = arith.constant dense<0.000000e+00> : vector<128x128xf32>
    %dot_general3A_423 = tpu.matmul %squeeze3A_421, %convert_element_type3A_1, %dot_general3A_422 {dimension_numbers = #tpu.dot_dimension_numbers<[0], [0], [1], [1], [0, 1, 1, 1], [], []>, transpose_lhs_hint = false} : vector<128x128xf32>, vector<128x128xf32>, vector<128x128xf32> -> vector<128x128xf32>
    %reshape3A_424 = vector.shape_cast %dot_general3A_423 : vector<128x128xf32> to vector<4x4x1x8x128xf32>
    %swap3A_425 = arith.constant 30 : index
    %swap3A_426 = arith.constant 0 : index
    %swap3A_427 = arith.constant 0 : index
    %swap3A_428 = arith.constant 0 : index
    %swap3A_429 = arith.constant 0 : index
    %swap3A_430 = arith.constant 0 : index
    %swap3A_431 = vector.load %arg2[%swap3A_425, %swap3A_426, %swap3A_427, %swap3A_428, %swap3A_429, %swap3A_430] : memref<50x4x4x1x8x128xf32, #tpu.memory_space<vmem>>, vector<1x4x4x1x8x128xf32>
    %swap3A_432 = vector.shape_cast %swap3A_431 : vector<1x4x4x1x8x128xf32> to vector<4x4x1x8x128xf32>
    %swap3A_433 = vector.shape_cast %reshape3A_424 : vector<4x4x1x8x128xf32> to vector<1x4x4x1x8x128xf32>
    tpu.vector_store %arg2[%swap3A_425, %swap3A_426, %swap3A_427, %swap3A_428, %swap3A_429, %swap3A_430], %swap3A_433 {strides = array<i32>} : memref<50x4x4x1x8x128xf32, #tpu.memory_space<vmem>>, vector<1x4x4x1x8x128xf32>,
    %slice3A_434 = vector.extract_strided_slice %reshape3A {offsets = [0, 31, 0], sizes = [128, 1, 128], strides = [1, 1, 1]} : vector<128x50x128xf32> to vector<128x1x128xf32>
    %squeeze3A_435 = vector.shape_cast %slice3A_434 : vector<128x1x128xf32> to vector<128x128xf32>
    %dot_general3A_436 = arith.constant dense<0.000000e+00> : vector<128x128xf32>
    %dot_general3A_437 = tpu.matmul %squeeze3A_435, %convert_element_type3A_1, %dot_general3A_436 {dimension_numbers = #tpu.dot_dimension_numbers<[0], [0], [1], [1], [0, 1, 1, 1], [], []>, transpose_lhs_hint = false} : vector<128x128xf32>, vector<128x128xf32>, vector<128x128xf32> -> vector<128x128xf32>
    %reshape3A_438 = vector.shape_cast %dot_general3A_437 : vector<128x128xf32> to vector<4x4x1x8x128xf32>
    %swap3A_439 = arith.constant 31 : index
    %swap3A_440 = arith.constant 0 : index
    %swap3A_441 = arith.constant 0 : index
    %swap3A_442 = arith.constant 0 : index
    %swap3A_443 = arith.constant 0 : index
    %swap3A_444 = arith.constant 0 : index
    %swap3A_445 = vector.load %arg2[%swap3A_439, %swap3A_440, %swap3A_441, %swap3A_442, %swap3A_443, %swap3A_444] : memref<50x4x4x1x8x128xf32, #tpu.memory_space<vmem>>, vector<1x4x4x1x8x128xf32>
    %swap3A_446 = vector.shape_cast %swap3A_445 : vector<1x4x4x1x8x128xf32> to vector<4x4x1x8x128xf32>
    %swap3A_447 = vector.shape_cast %reshape3A_438 : vector<4x4x1x8x128xf32> to vector<1x4x4x1x8x128xf32>
    tpu.vector_store %arg2[%swap3A_439, %swap3A_440, %swap3A_441, %swap3A_442, %swap3A_443, %swap3A_444], %swap3A_447 {strides = array<i32>} : memref<50x4x4x1x8x128xf32, #tpu.memory_space<vmem>>, vector<1x4x4x1x8x128xf32>,
    %slice3A_448 = vector.extract_strided_slice %reshape3A {offsets = [0, 32, 0], sizes = [128, 1, 128], strides = [1, 1, 1]} : vector<128x50x128xf32> to vector<128x1x128xf32>
    %squeeze3A_449 = vector.shape_cast %slice3A_448 : vector<128x1x128xf32> to vector<128x128xf32>
    %dot_general3A_450 = arith.constant dense<0.000000e+00> : vector<128x128xf32>
    %dot_general3A_451 = tpu.matmul %squeeze3A_449, %convert_element_type3A_1, %dot_general3A_450 {dimension_numbers = #tpu.dot_dimension_numbers<[0], [0], [1], [1], [0, 1, 1, 1], [], []>, transpose_lhs_hint = false} : vector<128x128xf32>, vector<128x128xf32>, vector<128x128xf32> -> vector<128x128xf32>
    %reshape3A_452 = vector.shape_cast %dot_general3A_451 : vector<128x128xf32> to vector<4x4x1x8x128xf32>
    %swap3A_453 = arith.constant 32 : index
    %swap3A_454 = arith.constant 0 : index
    %swap3A_455 = arith.constant 0 : index
    %swap3A_456 = arith.constant 0 : index
    %swap3A_457 = arith.constant 0 : index
    %swap3A_458 = arith.constant 0 : index
    %swap3A_459 = vector.load %arg2[%swap3A_453, %swap3A_454, %swap3A_455, %swap3A_456, %swap3A_457, %swap3A_458] : memref<50x4x4x1x8x128xf32, #tpu.memory_space<vmem>>, vector<1x4x4x1x8x128xf32>
    %swap3A_460 = vector.shape_cast %swap3A_459 : vector<1x4x4x1x8x128xf32> to vector<4x4x1x8x128xf32>
    %swap3A_461 = vector.shape_cast %reshape3A_452 : vector<4x4x1x8x128xf32> to vector<1x4x4x1x8x128xf32>
    tpu.vector_store %arg2[%swap3A_453, %swap3A_454, %swap3A_455, %swap3A_456, %swap3A_457, %swap3A_458], %swap3A_461 {strides = array<i32>} : memref<50x4x4x1x8x128xf32, #tpu.memory_space<vmem>>, vector<1x4x4x1x8x128xf32>,
    %slice3A_462 = vector.extract_strided_slice %reshape3A {offsets = [0, 33, 0], sizes = [128, 1, 128], strides = [1, 1, 1]} : vector<128x50x128xf32> to vector<128x1x128xf32>
    %squeeze3A_463 = vector.shape_cast %slice3A_462 : vector<128x1x128xf32> to vector<128x128xf32>
    %dot_general3A_464 = arith.constant dense<0.000000e+00> : vector<128x128xf32>
    %dot_general3A_465 = tpu.matmul %squeeze3A_463, %convert_element_type3A_1, %dot_general3A_464 {dimension_numbers = #tpu.dot_dimension_numbers<[0], [0], [1], [1], [0, 1, 1, 1], [], []>, transpose_lhs_hint = false} : vector<128x128xf32>, vector<128x128xf32>, vector<128x128xf32> -> vector<128x128xf32>
    %reshape3A_466 = vector.shape_cast %dot_general3A_465 : vector<128x128xf32> to vector<4x4x1x8x128xf32>
    %swap3A_467 = arith.constant 33 : index
    %swap3A_468 = arith.constant 0 : index
    %swap3A_469 = arith.constant 0 : index
    %swap3A_470 = arith.constant 0 : index
    %swap3A_471 = arith.constant 0 : index
    %swap3A_472 = arith.constant 0 : index
    %swap3A_473 = vector.load %arg2[%swap3A_467, %swap3A_468, %swap3A_469, %swap3A_470, %swap3A_471, %swap3A_472] : memref<50x4x4x1x8x128xf32, #tpu.memory_space<vmem>>, vector<1x4x4x1x8x128xf32>
    %swap3A_474 = vector.shape_cast %swap3A_473 : vector<1x4x4x1x8x128xf32> to vector<4x4x1x8x128xf32>
    %swap3A_475 = vector.shape_cast %reshape3A_466 : vector<4x4x1x8x128xf32> to vector<1x4x4x1x8x128xf32>
    tpu.vector_store %arg2[%swap3A_467, %swap3A_468, %swap3A_469, %swap3A_470, %swap3A_471, %swap3A_472], %swap3A_475 {strides = array<i32>} : memref<50x4x4x1x8x128xf32, #tpu.memory_space<vmem>>, vector<1x4x4x1x8x128xf32>,
    %slice3A_476 = vector.extract_strided_slice %reshape3A {offsets = [0, 34, 0], sizes = [128, 1, 128], strides = [1, 1, 1]} : vector<128x50x128xf32> to vector<128x1x128xf32>
    %squeeze3A_477 = vector.shape_cast %slice3A_476 : vector<128x1x128xf32> to vector<128x128xf32>
    %dot_general3A_478 = arith.constant dense<0.000000e+00> : vector<128x128xf32>
    %dot_general3A_479 = tpu.matmul %squeeze3A_477, %convert_element_type3A_1, %dot_general3A_478 {dimension_numbers = #tpu.dot_dimension_numbers<[0], [0], [1], [1], [0, 1, 1, 1], [], []>, transpose_lhs_hint = false} : vector<128x128xf32>, vector<128x128xf32>, vector<128x128xf32> -> vector<128x128xf32>
    %reshape3A_480 = vector.shape_cast %dot_general3A_479 : vector<128x128xf32> to vector<4x4x1x8x128xf32>
    %swap3A_481 = arith.constant 34 : index
    %swap3A_482 = arith.constant 0 : index
    %swap3A_483 = arith.constant 0 : index
    %swap3A_484 = arith.constant 0 : index
    %swap3A_485 = arith.constant 0 : index
    %swap3A_486 = arith.constant 0 : index
    %swap3A_487 = vector.load %arg2[%swap3A_481, %swap3A_482, %swap3A_483, %swap3A_484, %swap3A_485, %swap3A_486] : memref<50x4x4x1x8x128xf32, #tpu.memory_space<vmem>>, vector<1x4x4x1x8x128xf32>
    %swap3A_488 = vector.shape_cast %swap3A_487 : vector<1x4x4x1x8x128xf32> to vector<4x4x1x8x128xf32>
    %swap3A_489 = vector.shape_cast %reshape3A_480 : vector<4x4x1x8x128xf32> to vector<1x4x4x1x8x128xf32>
    tpu.vector_store %arg2[%swap3A_481, %swap3A_482, %swap3A_483, %swap3A_484, %swap3A_485, %swap3A_486], %swap3A_489 {strides = array<i32>} : memref<50x4x4x1x8x128xf32, #tpu.memory_space<vmem>>, vector<1x4x4x1x8x128xf32>,
    %slice3A_490 = vector.extract_strided_slice %reshape3A {offsets = [0, 35, 0], sizes = [128, 1, 128], strides = [1, 1, 1]} : vector<128x50x128xf32> to vector<128x1x128xf32>
    %squeeze3A_491 = vector.shape_cast %slice3A_490 : vector<128x1x128xf32> to vector<128x128xf32>
    %dot_general3A_492 = arith.constant dense<0.000000e+00> : vector<128x128xf32>
    %dot_general3A_493 = tpu.matmul %squeeze3A_491, %convert_element_type3A_1, %dot_general3A_492 {dimension_numbers = #tpu.dot_dimension_numbers<[0], [0], [1], [1], [0, 1, 1, 1], [], []>, transpose_lhs_hint = false} : vector<128x128xf32>, vector<128x128xf32>, vector<128x128xf32> -> vector<128x128xf32>
    %reshape3A_494 = vector.shape_cast %dot_general3A_493 : vector<128x128xf32> to vector<4x4x1x8x128xf32>
    %swap3A_495 = arith.constant 35 : index
    %swap3A_496 = arith.constant 0 : index
    %swap3A_497 = arith.constant 0 : index
    %swap3A_498 = arith.constant 0 : index
    %swap3A_499 = arith.constant 0 : index
    %swap3A_500 = arith.constant 0 : index
    %swap3A_501 = vector.load %arg2[%swap3A_495, %swap3A_496, %swap3A_497, %swap3A_498, %swap3A_499, %swap3A_500] : memref<50x4x4x1x8x128xf32, #tpu.memory_space<vmem>>, vector<1x4x4x1x8x128xf32>
    %swap3A_502 = vector.shape_cast %swap3A_501 : vector<1x4x4x1x8x128xf32> to vector<4x4x1x8x128xf32>
    %swap3A_503 = vector.shape_cast %reshape3A_494 : vector<4x4x1x8x128xf32> to vector<1x4x4x1x8x128xf32>
    tpu.vector_store %arg2[%swap3A_495, %swap3A_496, %swap3A_497, %swap3A_498, %swap3A_499, %swap3A_500], %swap3A_503 {strides = array<i32>} : memref<50x4x4x1x8x128xf32, #tpu.memory_space<vmem>>, vector<1x4x4x1x8x128xf32>,
    %slice3A_504 = vector.extract_strided_slice %reshape3A {offsets = [0, 36, 0], sizes = [128, 1, 128], strides = [1, 1, 1]} : vector<128x50x128xf32> to vector<128x1x128xf32>
    %squeeze3A_505 = vector.shape_cast %slice3A_504 : vector<128x1x128xf32> to vector<128x128xf32>
    %dot_general3A_506 = arith.constant dense<0.000000e+00> : vector<128x128xf32>
    %dot_general3A_507 = tpu.matmul %squeeze3A_505, %convert_element_type3A_1, %dot_general3A_506 {dimension_numbers = #tpu.dot_dimension_numbers<[0], [0], [1], [1], [0, 1, 1, 1], [], []>, transpose_lhs_hint = false} : vector<128x128xf32>, vector<128x128xf32>, vector<128x128xf32> -> vector<128x128xf32>
    %reshape3A_508 = vector.shape_cast %dot_general3A_507 : vector<128x128xf32> to vector<4x4x1x8x128xf32>
    %swap3A_509 = arith.constant 36 : index
    %swap3A_510 = arith.constant 0 : index
    %swap3A_511 = arith.constant 0 : index
    %swap3A_512 = arith.constant 0 : index
    %swap3A_513 = arith.constant 0 : index
    %swap3A_514 = arith.constant 0 : index
    %swap3A_515 = vector.load %arg2[%swap3A_509, %swap3A_510, %swap3A_511, %swap3A_512, %swap3A_513, %swap3A_514] : memref<50x4x4x1x8x128xf32, #tpu.memory_space<vmem>>, vector<1x4x4x1x8x128xf32>
    %swap3A_516 = vector.shape_cast %swap3A_515 : vector<1x4x4x1x8x128xf32> to vector<4x4x1x8x128xf32>
    %swap3A_517 = vector.shape_cast %reshape3A_508 : vector<4x4x1x8x128xf32> to vector<1x4x4x1x8x128xf32>
    tpu.vector_store %arg2[%swap3A_509, %swap3A_510, %swap3A_511, %swap3A_512, %swap3A_513, %swap3A_514], %swap3A_517 {strides = array<i32>} : memref<50x4x4x1x8x128xf32, #tpu.memory_space<vmem>>, vector<1x4x4x1x8x128xf32>,
    %slice3A_518 = vector.extract_strided_slice %reshape3A {offsets = [0, 37, 0], sizes = [128, 1, 128], strides = [1, 1, 1]} : vector<128x50x128xf32> to vector<128x1x128xf32>
    %squeeze3A_519 = vector.shape_cast %slice3A_518 : vector<128x1x128xf32> to vector<128x128xf32>
    %dot_general3A_520 = arith.constant dense<0.000000e+00> : vector<128x128xf32>
    %dot_general3A_521 = tpu.matmul %squeeze3A_519, %convert_element_type3A_1, %dot_general3A_520 {dimension_numbers = #tpu.dot_dimension_numbers<[0], [0], [1], [1], [0, 1, 1, 1], [], []>, transpose_lhs_hint = false} : vector<128x128xf32>, vector<128x128xf32>, vector<128x128xf32> -> vector<128x128xf32>
    %reshape3A_522 = vector.shape_cast %dot_general3A_521 : vector<128x128xf32> to vector<4x4x1x8x128xf32>
    %swap3A_523 = arith.constant 37 : index
    %swap3A_524 = arith.constant 0 : index
    %swap3A_525 = arith.constant 0 : index
    %swap3A_526 = arith.constant 0 : index
    %swap3A_527 = arith.constant 0 : index
    %swap3A_528 = arith.constant 0 : index
    %swap3A_529 = vector.load %arg2[%swap3A_523, %swap3A_524, %swap3A_525, %swap3A_526, %swap3A_527, %swap3A_528] : memref<50x4x4x1x8x128xf32, #tpu.memory_space<vmem>>, vector<1x4x4x1x8x128xf32>
    %swap3A_530 = vector.shape_cast %swap3A_529 : vector<1x4x4x1x8x128xf32> to vector<4x4x1x8x128xf32>
    %swap3A_531 = vector.shape_cast %reshape3A_522 : vector<4x4x1x8x128xf32> to vector<1x4x4x1x8x128xf32>
    tpu.vector_store %arg2[%swap3A_523, %swap3A_524, %swap3A_525, %swap3A_526, %swap3A_527, %swap3A_528], %swap3A_531 {strides = array<i32>} : memref<50x4x4x1x8x128xf32, #tpu.memory_space<vmem>>, vector<1x4x4x1x8x128xf32>,
    %slice3A_532 = vector.extract_strided_slice %reshape3A {offsets = [0, 38, 0], sizes = [128, 1, 128], strides = [1, 1, 1]} : vector<128x50x128xf32> to vector<128x1x128xf32>
    %squeeze3A_533 = vector.shape_cast %slice3A_532 : vector<128x1x128xf32> to vector<128x128xf32>
    %dot_general3A_534 = arith.constant dense<0.000000e+00> : vector<128x128xf32>
    %dot_general3A_535 = tpu.matmul %squeeze3A_533, %convert_element_type3A_1, %dot_general3A_534 {dimension_numbers = #tpu.dot_dimension_numbers<[0], [0], [1], [1], [0, 1, 1, 1], [], []>, transpose_lhs_hint = false} : vector<128x128xf32>, vector<128x128xf32>, vector<128x128xf32> -> vector<128x128xf32>
    %reshape3A_536 = vector.shape_cast %dot_general3A_535 : vector<128x128xf32> to vector<4x4x1x8x128xf32>
    %swap3A_537 = arith.constant 38 : index
    %swap3A_538 = arith.constant 0 : index
    %swap3A_539 = arith.constant 0 : index
    %swap3A_540 = arith.constant 0 : index
    %swap3A_541 = arith.constant 0 : index
    %swap3A_542 = arith.constant 0 : index
    %swap3A_543 = vector.load %arg2[%swap3A_537, %swap3A_538, %swap3A_539, %swap3A_540, %swap3A_541, %swap3A_542] : memref<50x4x4x1x8x128xf32, #tpu.memory_space<vmem>>, vector<1x4x4x1x8x128xf32>
    %swap3A_544 = vector.shape_cast %swap3A_543 : vector<1x4x4x1x8x128xf32> to vector<4x4x1x8x128xf32>
    %swap3A_545 = vector.shape_cast %reshape3A_536 : vector<4x4x1x8x128xf32> to vector<1x4x4x1x8x128xf32>
    tpu.vector_store %arg2[%swap3A_537, %swap3A_538, %swap3A_539, %swap3A_540, %swap3A_541, %swap3A_542], %swap3A_545 {strides = array<i32>} : memref<50x4x4x1x8x128xf32, #tpu.memory_space<vmem>>, vector<1x4x4x1x8x128xf32>,
    %slice3A_546 = vector.extract_strided_slice %reshape3A {offsets = [0, 39, 0], sizes = [128, 1, 128], strides = [1, 1, 1]} : vector<128x50x128xf32> to vector<128x1x128xf32>
    %squeeze3A_547 = vector.shape_cast %slice3A_546 : vector<128x1x128xf32> to vector<128x128xf32>
    %dot_general3A_548 = arith.constant dense<0.000000e+00> : vector<128x128xf32>
    %dot_general3A_549 = tpu.matmul %squeeze3A_547, %convert_element_type3A_1, %dot_general3A_548 {dimension_numbers = #tpu.dot_dimension_numbers<[0], [0], [1], [1], [0, 1, 1, 1], [], []>, transpose_lhs_hint = false} : vector<128x128xf32>, vector<128x128xf32>, vector<128x128xf32> -> vector<128x128xf32>
    %reshape3A_550 = vector.shape_cast %dot_general3A_549 : vector<128x128xf32> to vector<4x4x1x8x128xf32>
    %swap3A_551 = arith.constant 39 : index
    %swap3A_552 = arith.constant 0 : index
    %swap3A_553 = arith.constant 0 : index
    %swap3A_554 = arith.constant 0 : index
    %swap3A_555 = arith.constant 0 : index
    %swap3A_556 = arith.constant 0 : index
    %swap3A_557 = vector.load %arg2[%swap3A_551, %swap3A_552, %swap3A_553, %swap3A_554, %swap3A_555, %swap3A_556] : memref<50x4x4x1x8x128xf32, #tpu.memory_space<vmem>>, vector<1x4x4x1x8x128xf32>
    %swap3A_558 = vector.shape_cast %swap3A_557 : vector<1x4x4x1x8x128xf32> to vector<4x4x1x8x128xf32>
    %swap3A_559 = vector.shape_cast %reshape3A_550 : vector<4x4x1x8x128xf32> to vector<1x4x4x1x8x128xf32>
    tpu.vector_store %arg2[%swap3A_551, %swap3A_552, %swap3A_553, %swap3A_554, %swap3A_555, %swap3A_556], %swap3A_559 {strides = array<i32>} : memref<50x4x4x1x8x128xf32, #tpu.memory_space<vmem>>, vector<1x4x4x1x8x128xf32>,
    %slice3A_560 = vector.extract_strided_slice %reshape3A {offsets = [0, 40, 0], sizes = [128, 1, 128], strides = [1, 1, 1]} : vector<128x50x128xf32> to vector<128x1x128xf32>
    %squeeze3A_561 = vector.shape_cast %slice3A_560 : vector<128x1x128xf32> to vector<128x128xf32>
    %dot_general3A_562 = arith.constant dense<0.000000e+00> : vector<128x128xf32>
    %dot_general3A_563 = tpu.matmul %squeeze3A_561, %convert_element_type3A_1, %dot_general3A_562 {dimension_numbers = #tpu.dot_dimension_numbers<[0], [0], [1], [1], [0, 1, 1, 1], [], []>, transpose_lhs_hint = false} : vector<128x128xf32>, vector<128x128xf32>, vector<128x128xf32> -> vector<128x128xf32>
    %reshape3A_564 = vector.shape_cast %dot_general3A_563 : vector<128x128xf32> to vector<4x4x1x8x128xf32>
    %swap3A_565 = arith.constant 40 : index
    %swap3A_566 = arith.constant 0 : index
    %swap3A_567 = arith.constant 0 : index
    %swap3A_568 = arith.constant 0 : index
    %swap3A_569 = arith.constant 0 : index
    %swap3A_570 = arith.constant 0 : index
    %swap3A_571 = vector.load %arg2[%swap3A_565, %swap3A_566, %swap3A_567, %swap3A_568, %swap3A_569, %swap3A_570] : memref<50x4x4x1x8x128xf32, #tpu.memory_space<vmem>>, vector<1x4x4x1x8x128xf32>
    %swap3A_572 = vector.shape_cast %swap3A_571 : vector<1x4x4x1x8x128xf32> to vector<4x4x1x8x128xf32>
    %swap3A_573 = vector.shape_cast %reshape3A_564 : vector<4x4x1x8x128xf32> to vector<1x4x4x1x8x128xf32>
    tpu.vector_store %arg2[%swap3A_565, %swap3A_566, %swap3A_567, %swap3A_568, %swap3A_569, %swap3A_570], %swap3A_573 {strides = array<i32>} : memref<50x4x4x1x8x128xf32, #tpu.memory_space<vmem>>, vector<1x4x4x1x8x128xf32>,
    %slice3A_574 = vector.extract_strided_slice %reshape3A {offsets = [0, 41, 0], sizes = [128, 1, 128], strides = [1, 1, 1]} : vector<128x50x128xf32> to vector<128x1x128xf32>
    %squeeze3A_575 = vector.shape_cast %slice3A_574 : vector<128x1x128xf32> to vector<128x128xf32>
    %dot_general3A_576 = arith.constant dense<0.000000e+00> : vector<128x128xf32>
    %dot_general3A_577 = tpu.matmul %squeeze3A_575, %convert_element_type3A_1, %dot_general3A_576 {dimension_numbers = #tpu.dot_dimension_numbers<[0], [0], [1], [1], [0, 1, 1, 1], [], []>, transpose_lhs_hint = false} : vector<128x128xf32>, vector<128x128xf32>, vector<128x128xf32> -> vector<128x128xf32>
    %reshape3A_578 = vector.shape_cast %dot_general3A_577 : vector<128x128xf32> to vector<4x4x1x8x128xf32>
    %swap3A_579 = arith.constant 41 : index
    %swap3A_580 = arith.constant 0 : index
    %swap3A_581 = arith.constant 0 : index
    %swap3A_582 = arith.constant 0 : index
    %swap3A_583 = arith.constant 0 : index
    %swap3A_584 = arith.constant 0 : index
    %swap3A_585 = vector.load %arg2[%swap3A_579, %swap3A_580, %swap3A_581, %swap3A_582, %swap3A_583, %swap3A_584] : memref<50x4x4x1x8x128xf32, #tpu.memory_space<vmem>>, vector<1x4x4x1x8x128xf32>
    %swap3A_586 = vector.shape_cast %swap3A_585 : vector<1x4x4x1x8x128xf32> to vector<4x4x1x8x128xf32>
    %swap3A_587 = vector.shape_cast %reshape3A_578 : vector<4x4x1x8x128xf32> to vector<1x4x4x1x8x128xf32>
    tpu.vector_store %arg2[%swap3A_579, %swap3A_580, %swap3A_581, %swap3A_582, %swap3A_583, %swap3A_584], %swap3A_587 {strides = array<i32>} : memref<50x4x4x1x8x128xf32, #tpu.memory_space<vmem>>, vector<1x4x4x1x8x128xf32>,
    %slice3A_588 = vector.extract_strided_slice %reshape3A {offsets = [0, 42, 0], sizes = [128, 1, 128], strides = [1, 1, 1]} : vector<128x50x128xf32> to vector<128x1x128xf32>
    %squeeze3A_589 = vector.shape_cast %slice3A_588 : vector<128x1x128xf32> to vector<128x128xf32>
    %dot_general3A_590 = arith.constant dense<0.000000e+00> : vector<128x128xf32>
    %dot_general3A_591 = tpu.matmul %squeeze3A_589, %convert_element_type3A_1, %dot_general3A_590 {dimension_numbers = #tpu.dot_dimension_numbers<[0], [0], [1], [1], [0, 1, 1, 1], [], []>, transpose_lhs_hint = false} : vector<128x128xf32>, vector<128x128xf32>, vector<128x128xf32> -> vector<128x128xf32>
    %reshape3A_592 = vector.shape_cast %dot_general3A_591 : vector<128x128xf32> to vector<4x4x1x8x128xf32>
    %swap3A_593 = arith.constant 42 : index
    %swap3A_594 = arith.constant 0 : index
    %swap3A_595 = arith.constant 0 : index
    %swap3A_596 = arith.constant 0 : index
    %swap3A_597 = arith.constant 0 : index
    %swap3A_598 = arith.constant 0 : index
    %swap3A_599 = vector.load %arg2[%swap3A_593, %swap3A_594, %swap3A_595, %swap3A_596, %swap3A_597, %swap3A_598] : memref<50x4x4x1x8x128xf32, #tpu.memory_space<vmem>>, vector<1x4x4x1x8x128xf32>
    %swap3A_600 = vector.shape_cast %swap3A_599 : vector<1x4x4x1x8x128xf32> to vector<4x4x1x8x128xf32>
    %swap3A_601 = vector.shape_cast %reshape3A_592 : vector<4x4x1x8x128xf32> to vector<1x4x4x1x8x128xf32>
    tpu.vector_store %arg2[%swap3A_593, %swap3A_594, %swap3A_595, %swap3A_596, %swap3A_597, %swap3A_598], %swap3A_601 {strides = array<i32>} : memref<50x4x4x1x8x128xf32, #tpu.memory_space<vmem>>, vector<1x4x4x1x8x128xf32>,
    %slice3A_602 = vector.extract_strided_slice %reshape3A {offsets = [0, 43, 0], sizes = [128, 1, 128], strides = [1, 1, 1]} : vector<128x50x128xf32> to vector<128x1x128xf32>
    %squeeze3A_603 = vector.shape_cast %slice3A_602 : vector<128x1x128xf32> to vector<128x128xf32>
    %dot_general3A_604 = arith.constant dense<0.000000e+00> : vector<128x128xf32>
    %dot_general3A_605 = tpu.matmul %squeeze3A_603, %convert_element_type3A_1, %dot_general3A_604 {dimension_numbers = #tpu.dot_dimension_numbers<[0], [0], [1], [1], [0, 1, 1, 1], [], []>, transpose_lhs_hint = false} : vector<128x128xf32>, vector<128x128xf32>, vector<128x128xf32> -> vector<128x128xf32>
    %reshape3A_606 = vector.shape_cast %dot_general3A_605 : vector<128x128xf32> to vector<4x4x1x8x128xf32>
    %swap3A_607 = arith.constant 43 : index
    %swap3A_608 = arith.constant 0 : index
    %swap3A_609 = arith.constant 0 : index
    %swap3A_610 = arith.constant 0 : index
    %swap3A_611 = arith.constant 0 : index
    %swap3A_612 = arith.constant 0 : index
    %swap3A_613 = vector.load %arg2[%swap3A_607, %swap3A_608, %swap3A_609, %swap3A_610, %swap3A_611, %swap3A_612] : memref<50x4x4x1x8x128xf32, #tpu.memory_space<vmem>>, vector<1x4x4x1x8x128xf32>
    %swap3A_614 = vector.shape_cast %swap3A_613 : vector<1x4x4x1x8x128xf32> to vector<4x4x1x8x128xf32>
    %swap3A_615 = vector.shape_cast %reshape3A_606 : vector<4x4x1x8x128xf32> to vector<1x4x4x1x8x128xf32>
    tpu.vector_store %arg2[%swap3A_607, %swap3A_608, %swap3A_609, %swap3A_610, %swap3A_611, %swap3A_612], %swap3A_615 {strides = array<i32>} : memref<50x4x4x1x8x128xf32, #tpu.memory_space<vmem>>, vector<1x4x4x1x8x128xf32>,
    %slice3A_616 = vector.extract_strided_slice %reshape3A {offsets = [0, 44, 0], sizes = [128, 1, 128], strides = [1, 1, 1]} : vector<128x50x128xf32> to vector<128x1x128xf32>
    %squeeze3A_617 = vector.shape_cast %slice3A_616 : vector<128x1x128xf32> to vector<128x128xf32>
    %dot_general3A_618 = arith.constant dense<0.000000e+00> : vector<128x128xf32>
    %dot_general3A_619 = tpu.matmul %squeeze3A_617, %convert_element_type3A_1, %dot_general3A_618 {dimension_numbers = #tpu.dot_dimension_numbers<[0], [0], [1], [1], [0, 1, 1, 1], [], []>, transpose_lhs_hint = false} : vector<128x128xf32>, vector<128x128xf32>, vector<128x128xf32> -> vector<128x128xf32>
    %reshape3A_620 = vector.shape_cast %dot_general3A_619 : vector<128x128xf32> to vector<4x4x1x8x128xf32>
    %swap3A_621 = arith.constant 44 : index
    %swap3A_622 = arith.constant 0 : index
    %swap3A_623 = arith.constant 0 : index
    %swap3A_624 = arith.constant 0 : index
    %swap3A_625 = arith.constant 0 : index
    %swap3A_626 = arith.constant 0 : index
    %swap3A_627 = vector.load %arg2[%swap3A_621, %swap3A_622, %swap3A_623, %swap3A_624, %swap3A_625, %swap3A_626] : memref<50x4x4x1x8x128xf32, #tpu.memory_space<vmem>>, vector<1x4x4x1x8x128xf32>
    %swap3A_628 = vector.shape_cast %swap3A_627 : vector<1x4x4x1x8x128xf32> to vector<4x4x1x8x128xf32>
    %swap3A_629 = vector.shape_cast %reshape3A_620 : vector<4x4x1x8x128xf32> to vector<1x4x4x1x8x128xf32>
    tpu.vector_store %arg2[%swap3A_621, %swap3A_622, %swap3A_623, %swap3A_624, %swap3A_625, %swap3A_626], %swap3A_629 {strides = array<i32>} : memref<50x4x4x1x8x128xf32, #tpu.memory_space<vmem>>, vector<1x4x4x1x8x128xf32>,
    %slice3A_630 = vector.extract_strided_slice %reshape3A {offsets = [0, 45, 0], sizes = [128, 1, 128], strides = [1, 1, 1]} : vector<128x50x128xf32> to vector<128x1x128xf32>
    %squeeze3A_631 = vector.shape_cast %slice3A_630 : vector<128x1x128xf32> to vector<128x128xf32>
    %dot_general3A_632 = arith.constant dense<0.000000e+00> : vector<128x128xf32>
    %dot_general3A_633 = tpu.matmul %squeeze3A_631, %convert_element_type3A_1, %dot_general3A_632 {dimension_numbers = #tpu.dot_dimension_numbers<[0], [0], [1], [1], [0, 1, 1, 1], [], []>, transpose_lhs_hint = false} : vector<128x128xf32>, vector<128x128xf32>, vector<128x128xf32> -> vector<128x128xf32>
    %reshape3A_634 = vector.shape_cast %dot_general3A_633 : vector<128x128xf32> to vector<4x4x1x8x128xf32>
    %swap3A_635 = arith.constant 45 : index
    %swap3A_636 = arith.constant 0 : index
    %swap3A_637 = arith.constant 0 : index
    %swap3A_638 = arith.constant 0 : index
    %swap3A_639 = arith.constant 0 : index
    %swap3A_640 = arith.constant 0 : index
    %swap3A_641 = vector.load %arg2[%swap3A_635, %swap3A_636, %swap3A_637, %swap3A_638, %swap3A_639, %swap3A_640] : memref<50x4x4x1x8x128xf32, #tpu.memory_space<vmem>>, vector<1x4x4x1x8x128xf32>
    %swap3A_642 = vector.shape_cast %swap3A_641 : vector<1x4x4x1x8x128xf32> to vector<4x4x1x8x128xf32>
    %swap3A_643 = vector.shape_cast %reshape3A_634 : vector<4x4x1x8x128xf32> to vector<1x4x4x1x8x128xf32>
    tpu.vector_store %arg2[%swap3A_635, %swap3A_636, %swap3A_637, %swap3A_638, %swap3A_639, %swap3A_640], %swap3A_643 {strides = array<i32>} : memref<50x4x4x1x8x128xf32, #tpu.memory_space<vmem>>, vector<1x4x4x1x8x128xf32>,
    %slice3A_644 = vector.extract_strided_slice %reshape3A {offsets = [0, 46, 0], sizes = [128, 1, 128], strides = [1, 1, 1]} : vector<128x50x128xf32> to vector<128x1x128xf32>
    %squeeze3A_645 = vector.shape_cast %slice3A_644 : vector<128x1x128xf32> to vector<128x128xf32>
    %dot_general3A_646 = arith.constant dense<0.000000e+00> : vector<128x128xf32>
    %dot_general3A_647 = tpu.matmul %squeeze3A_645, %convert_element_type3A_1, %dot_general3A_646 {dimension_numbers = #tpu.dot_dimension_numbers<[0], [0], [1], [1], [0, 1, 1, 1], [], []>, transpose_lhs_hint = false} : vector<128x128xf32>, vector<128x128xf32>, vector<128x128xf32> -> vector<128x128xf32>
    %reshape3A_648 = vector.shape_cast %dot_general3A_647 : vector<128x128xf32> to vector<4x4x1x8x128xf32>
    %swap3A_649 = arith.constant 46 : index
    %swap3A_650 = arith.constant 0 : index
    %swap3A_651 = arith.constant 0 : index
    %swap3A_652 = arith.constant 0 : index
    %swap3A_653 = arith.constant 0 : index
    %swap3A_654 = arith.constant 0 : index
    %swap3A_655 = vector.load %arg2[%swap3A_649, %swap3A_650, %swap3A_651, %swap3A_652, %swap3A_653, %swap3A_654] : memref<50x4x4x1x8x128xf32, #tpu.memory_space<vmem>>, vector<1x4x4x1x8x128xf32>
    %swap3A_656 = vector.shape_cast %swap3A_655 : vector<1x4x4x1x8x128xf32> to vector<4x4x1x8x128xf32>
    %swap3A_657 = vector.shape_cast %reshape3A_648 : vector<4x4x1x8x128xf32> to vector<1x4x4x1x8x128xf32>
    tpu.vector_store %arg2[%swap3A_649, %swap3A_650, %swap3A_651, %swap3A_652, %swap3A_653, %swap3A_654], %swap3A_657 {strides = array<i32>} : memref<50x4x4x1x8x128xf32, #tpu.memory_space<vmem>>, vector<1x4x4x1x8x128xf32>,
    %slice3A_658 = vector.extract_strided_slice %reshape3A {offsets = [0, 47, 0], sizes = [128, 1, 128], strides = [1, 1, 1]} : vector<128x50x128xf32> to vector<128x1x128xf32>
    %squeeze3A_659 = vector.shape_cast %slice3A_658 : vector<128x1x128xf32> to vector<128x128xf32>
    %dot_general3A_660 = arith.constant dense<0.000000e+00> : vector<128x128xf32>
    %dot_general3A_661 = tpu.matmul %squeeze3A_659, %convert_element_type3A_1, %dot_general3A_660 {dimension_numbers = #tpu.dot_dimension_numbers<[0], [0], [1], [1], [0, 1, 1, 1], [], []>, transpose_lhs_hint = false} : vector<128x128xf32>, vector<128x128xf32>, vector<128x128xf32> -> vector<128x128xf32>
    %reshape3A_662 = vector.shape_cast %dot_general3A_661 : vector<128x128xf32> to vector<4x4x1x8x128xf32>
    %swap3A_663 = arith.constant 47 : index
    %swap3A_664 = arith.constant 0 : index
    %swap3A_665 = arith.constant 0 : index
    %swap3A_666 = arith.constant 0 : index
    %swap3A_667 = arith.constant 0 : index
    %swap3A_668 = arith.constant 0 : index
    %swap3A_669 = vector.load %arg2[%swap3A_663, %swap3A_664, %swap3A_665, %swap3A_666, %swap3A_667, %swap3A_668] : memref<50x4x4x1x8x128xf32, #tpu.memory_space<vmem>>, vector<1x4x4x1x8x128xf32>
    %swap3A_670 = vector.shape_cast %swap3A_669 : vector<1x4x4x1x8x128xf32> to vector<4x4x1x8x128xf32>
    %swap3A_671 = vector.shape_cast %reshape3A_662 : vector<4x4x1x8x128xf32> to vector<1x4x4x1x8x128xf32>
    tpu.vector_store %arg2[%swap3A_663, %swap3A_664, %swap3A_665, %swap3A_666, %swap3A_667, %swap3A_668], %swap3A_671 {strides = array<i32>} : memref<50x4x4x1x8x128xf32, #tpu.memory_space<vmem>>, vector<1x4x4x1x8x128xf32>,
    %slice3A_672 = vector.extract_strided_slice %reshape3A {offsets = [0, 48, 0], sizes = [128, 1, 128], strides = [1, 1, 1]} : vector<128x50x128xf32> to vector<128x1x128xf32>
    %squeeze3A_673 = vector.shape_cast %slice3A_672 : vector<128x1x128xf32> to vector<128x128xf32>
    %dot_general3A_674 = arith.constant dense<0.000000e+00> : vector<128x128xf32>
    %dot_general3A_675 = tpu.matmul %squeeze3A_673, %convert_element_type3A_1, %dot_general3A_674 {dimension_numbers = #tpu.dot_dimension_numbers<[0], [0], [1], [1], [0, 1, 1, 1], [], []>, transpose_lhs_hint = false} : vector<128x128xf32>, vector<128x128xf32>, vector<128x128xf32> -> vector<128x128xf32>
    %reshape3A_676 = vector.shape_cast %dot_general3A_675 : vector<128x128xf32> to vector<4x4x1x8x128xf32>
    %swap3A_677 = arith.constant 48 : index
    %swap3A_678 = arith.constant 0 : index
    %swap3A_679 = arith.constant 0 : index
    %swap3A_680 = arith.constant 0 : index
    %swap3A_681 = arith.constant 0 : index
    %swap3A_682 = arith.constant 0 : index
    %swap3A_683 = vector.load %arg2[%swap3A_677, %swap3A_678, %swap3A_679, %swap3A_680, %swap3A_681, %swap3A_682] : memref<50x4x4x1x8x128xf32, #tpu.memory_space<vmem>>, vector<1x4x4x1x8x128xf32>
    %swap3A_684 = vector.shape_cast %swap3A_683 : vector<1x4x4x1x8x128xf32> to vector<4x4x1x8x128xf32>
    %swap3A_685 = vector.shape_cast %reshape3A_676 : vector<4x4x1x8x128xf32> to vector<1x4x4x1x8x128xf32>
    tpu.vector_store %arg2[%swap3A_677, %swap3A_678, %swap3A_679, %swap3A_680, %swap3A_681, %swap3A_682], %swap3A_685 {strides = array<i32>} : memref<50x4x4x1x8x128xf32, #tpu.memory_space<vmem>>, vector<1x4x4x1x8x128xf32>,
    %slice3A_686 = vector.extract_strided_slice %reshape3A {offsets = [0, 49, 0], sizes = [128, 1, 128], strides = [1, 1, 1]} : vector<128x50x128xf32> to vector<128x1x128xf32>
    %squeeze3A_687 = vector.shape_cast %slice3A_686 : vector<128x1x128xf32> to vector<128x128xf32>
    %dot_general3A_688 = arith.constant dense<0.000000e+00> : vector<128x128xf32>
    %dot_general3A_689 = tpu.matmul %squeeze3A_687, %convert_element_type3A_1, %dot_general3A_688 {dimension_numbers = #tpu.dot_dimension_numbers<[0], [0], [1], [1], [0, 1, 1, 1], [], []>, transpose_lhs_hint = false} : vector<128x128xf32>, vector<128x128xf32>, vector<128x128xf32> -> vector<128x128xf32>
    %reshape3A_690 = vector.shape_cast %dot_general3A_689 : vector<128x128xf32> to vector<4x4x1x8x128xf32>
    %swap3A_691 = arith.constant 49 : index
    %swap3A_692 = arith.constant 0 : index
    %swap3A_693 = arith.constant 0 : index
    %swap3A_694 = arith.constant 0 : index
    %swap3A_695 = arith.constant 0 : index
    %swap3A_696 = arith.constant 0 : index
    %swap3A_697 = vector.load %arg2[%swap3A_691, %swap3A_692, %swap3A_693, %swap3A_694, %swap3A_695, %swap3A_696] : memref<50x4x4x1x8x128xf32, #tpu.memory_space<vmem>>, vector<1x4x4x1x8x128xf32>
    %swap3A_698 = vector.shape_cast %swap3A_697 : vector<1x4x4x1x8x128xf32> to vector<4x4x1x8x128xf32>
    %swap3A_699 = vector.shape_cast %reshape3A_690 : vector<4x4x1x8x128xf32> to vector<1x4x4x1x8x128xf32>
    tpu.vector_store %arg2[%swap3A_691, %swap3A_692, %swap3A_693, %swap3A_694, %swap3A_695, %swap3A_696], %swap3A_699 {strides = array<i32>} : memref<50x4x4x1x8x128xf32, #tpu.memory_space<vmem>>, vector<1x4x4x1x8x128xf32>,
    return
  }
  func.func @transform_0(%arg0: i32) -> (i32, i32) {
    %c0_i32 = arith.constant 0 : i32
    %c0_i32_0 = arith.constant 0 : i32
    return %arg0, %c0_i32 : i32, i32
  }
  func.func @transform_1(%arg0: i32) -> (i32, i32, i32, i32, i32, i32) {
    %c0_i32 = arith.constant 0 : i32
    %c0_i32_0 = arith.constant 0 : i32
    %c0_i32_1 = arith.constant 0 : i32
    %c0_i32_2 = arith.constant 0 : i32
    %c0_i32_3 = arith.constant 0 : i32
    %c0_i32_4 = arith.constant 0 : i32
    return %c0_i32, %c0_i32_0, %c0_i32_1, %arg0, %c0_i32_2, %c0_i32_3 : i32, i32, i32, i32, i32, i32
  }
}

</mosaic_0001>

<sc_bundles>
// kernel: kernel.4.cloned.1.call-start
scs
__scs_entry_jumppad:
0x0: {  	(pc) =	sbr.rel $0x88, $3  }
0x1: {  	(tag) =	ssettag $0x0;
	lr =	simm.s32 $0x1  }
0x2: {  	[smem:$0x3F9F] =	sst lr;
	_ =	strace $0xD0000000  }
0x3: {  	_ = 	snop  }
0x4: {  	_ = 	snop  }
0x5: {  	_ = 	snop  }
0x6: {  	_ = 	snop  }
0x7: {  	_ = 	snop  }
__scs_overlays_trampoline_lowered:
0x8: {  	[smem:$0x3FAE] =	sst s0  }
0x9: {  	[smem:$0x3FAF] =	sst s1  }
0xa: {  	[smem:$0x3FB0] =	sst s2  }
0xb: {  	[smem:$0x3FB1] =	sst s3  }
0xc: {  	[smem:$0x3FB2] =	sst s4  }
0xd: {  	[smem:$0x3FB3] =	sst s5  }
0xe: {  	[smem:$0x3FB4] =	sst s6  }
0xf: {  	[smem:$0x3FB5] =	sst s7  }
0x10: {  	[smem:$0x3FB6] =	sst s8  }
0x11: {  	[smem:$0x3FB7] =	sst s9;
	s0 =	simm.s32 @!p0 $0x0  }
0x12: {  	s1 =	sld [smem:$0x3F9D];
	s0 =	simm.s32 @p0 $0x1  }
0x13: {  	[smem:$0x3FB8] =	sst s0;
	s0 =	simm.s32 @!p1 $0x0  }
0x14: {  	s2 =	sld [smem:$0x3F9C];
	s0 =	simm.s32 @p1 $0x1  }
0x15: {  	[smem:$0x3FB9] =	sst s0;
	s0 =	simm.s32 @!p2 $0x0  }
0x16: {  	s3 =	sld [smem:$0x3FDB];
	s0 =	simm.s32 @p2 $0x1  }
0x17: {  	s4 =	simm.s32 $0x1BF5;
	[smem:$0x3FBB] =	sst s0  }
0x18: {  	s0 =	sld [smem:$0x3F9E];
	_ =	swait.ge [sflag:s4], $0x0  }
0x19: {  	s7 =	sld [smem:$0x3F9F]  }
0x1a: {  	s8 =	sadd.s32 $0xFFFFE003, lr  }
0x1b: {  	s9 =	sadd.s32 $0xFFFFFEF7, lr;
	s5 =	simm.s32 $0xFFFFFFFF;
	p2 =	slt.u32 s8, $0xFFFFF086  }
0x1c: {  	p1 =	slt.u32 s9, $0xF7A;
	s5 =	simm.s32 @!p2 $0x0  }
0x1d: {  	s5 =	simm.s32 @p1 $0x1;
	p0 =	seq.s32 s7, s2  }
0x1e: {  	s7 =	smul.u32 @!p0 $0xF7A, s2;
	p2 =	seq.s32 @!p0 s5, $0x0  }
0x1f: {  	s9 =	smul.u32 $0xF7A, s1;
	s8 =	simm.s32 @!p0 $0x1BF5;
	p2 =	por !p2, p0  }
0x20: {  	[sflag:s8] =	ssyncset.s32 @!p0 $0xFFFFF086;
	s6 =	sadd.s32 @!p0 s3, s7;
	s7 =	simm.s32 @!p0 $0x108  }
0x21: {  	s3 =	sadd.s32 s3, s9;
	s6 =	sadd.s32 @!p0 $0x88, s6;
	s7 =	simm.s32 @p2 $0x1082  }
0x22: {  	[simem:s7], [sflag:s8] =	dma.local @!p0 [hbm:s6], $0xF7A  }
0x23: {  	s9 =	sor.u32 $0xD0000000, s2;
	s6 =	simm.s32 $0x108;
	_ =	swait.ge @!p0 [sflag:s8], $0x0  }
0x24: {  	s3 =	sadd.s32 $0x88, s3;
	s6 =	simm.s32 @!p1 $0x1082;
	[sflag:s4] =	ssyncset.s32 $0xFFFFF086  }
0x25: {  	[simem:s6], [sflag:s4] =	dma.local [hbm:s3], $0xF7A  }
0x26: {  	[smem:$0x3F9F] =	sst s1;
	(tag) =	ssettag s2;
	_ =	strace s9  }
0x27: {  	s1 =	sld [smem:$0x3FAF]  }
0x28: {  	s2 =	sld [smem:$0x3FB0]  }
0x29: {  	s4 =	sld [smem:$0x3FB2]  }
0x2a: {  	p0 =	seq.s32 s5, $0x0;
	s5 =	sld [smem:$0x3FB3]  }
0x2b: {  	s6 =	sld [smem:$0x3FB4]  }
0x2c: {  	s7 =	sld [smem:$0x3FB5]  }
0x2d: {  	s3 =	simm.s32 $0x108;
	s8 =	sld [smem:$0x3FB6]  }
0x2e: {  	s3 =	simm.s32 @!p0 $0x1082;
	s9 =	sld [smem:$0x3FB7]  }
0x2f: {  	lr =	sadd.s32 s0, s3;
	s0 =	sld [smem:$0x3FAE]  }
0x30: {  	s3 =	sld [smem:$0x3FB1]  }
0x31: {  	[smem:$0x3FBA] =	sst s10  }
0x32: {  	s10 =	sld [smem:$0x3FB8];
	_ =	sdelay $0x3  }
0x33: {  	p0 =	seq.s32 s10, $0x1;
	s10 =	sld [smem:$0x3FBA];
	_ =	sdelay $0x3  }
0x34: {  	[smem:$0x3FBA] =	sst s10  }
0x35: {  	s10 =	sld [smem:$0x3FB9];
	_ =	sdelay $0x3  }
0x36: {  	p1 =	seq.s32 s10, $0x1;
	s10 =	sld [smem:$0x3FBA];
	_ =	sdelay $0x3  }
0x37: {  	[smem:$0x3FBA] =	sst s10  }
0x38: {  	s10 =	sld [smem:$0x3FBB]  }
0x39: {  	_ = 	snop;
	(pc) =	sbr.ind lr, $3  }
0x3a: {  	_ = 	snop  }
0x3b: {  	_ = 	snop  }
0x3c: {  	p2 =	seq.s32 s10, $0x1;
	s10 =	sld [smem:$0x3FBA]  }
0x3d: {  	_ =	shalt  }
0x3e: {  	_ =	shalt  }
0x3f: {  	_ =	shalt  }
0x40: {  	_ =	shalt  }
0x41: {  	_ =	shalt  }
0x42: {  	_ =	shalt  }
0x43: {  	_ =	shalt  }
0x44: {  	_ =	shalt  }
0x45: {  	_ =	shalt  }
0x46: {  	_ =	shalt  }
0x47: {  	_ =	shalt  }
0x48: {  	_ =	shalt  }
0x49: {  	_ =	shalt  }
0x4a: {  	_ =	shalt  }
0x4b: {  	_ =	shalt  }
0x4c: {  	_ =	shalt  }
0x4d: {  	_ =	shalt  }
0x4e: {  	_ =	shalt  }
0x4f: {  	_ =	shalt  }
0x50: {  	_ =	shalt  }
0x51: {  	_ =	shalt  }
0x52: {  	_ =	shalt  }
0x53: {  	_ =	shalt  }
0x54: {  	_ =	shalt  }
0x55: {  	_ =	shalt  }
0x56: {  	_ =	shalt  }
0x57: {  	_ =	shalt  }
0x58: {  	_ =	shalt  }
0x59: {  	_ =	shalt  }
0x5a: {  	_ =	shalt  }
0x5b: {  	_ =	shalt  }
0x5c: {  	_ =	shalt  }
0x5d: {  	_ =	shalt  }
0x5e: {  	_ =	shalt  }
0x5f: {  	_ =	shalt  }
0x60: {  	_ =	shalt  }
0x61: {  	_ =	shalt  }
0x62: {  	_ =	shalt  }
0x63: {  	_ =	shalt  }
0x64: {  	_ =	shalt  }
0x65: {  	_ =	shalt  }
0x66: {  	_ =	shalt  }
0x67: {  	_ =	shalt  }
0x68: {  	_ =	shalt  }
0x69: {  	_ =	shalt  }
0x6a: {  	_ =	shalt  }
0x6b: {  	_ =	shalt  }
0x6c: {  	_ =	shalt  }
0x6d: {  	_ =	shalt  }
0x6e: {  	_ =	shalt  }
0x6f: {  	_ =	shalt  }
0x70: {  	_ =	shalt  }
0x71: {  	_ =	shalt  }
0x72: {  	_ =	shalt  }
0x73: {  	_ =	shalt  }
0x74: {  	_ =	shalt  }
0x75: {  	_ =	shalt  }
0x76: {  	_ =	shalt  }
0x77: {  	_ =	shalt  }
0x78: {  	_ =	shalt  }
0x79: {  	_ =	shalt  }
0x7a: {  	_ =	shalt  }
0x7b: {  	_ =	shalt  }
0x7c: {  	_ =	shalt  }
0x7d: {  	_ =	shalt  }
0x7e: {  	_ =	shalt  }
0x7f: {  	_ =	shalt  }
0x80: {  	_ =	shalt  }
0x81: {  	_ =	shalt  }
0x82: {  	_ =	shalt  }
0x83: {  	_ =	shalt  }
0x84: {  	_ =	shalt  }
0x85: {  	_ =	shalt  }
0x86: {  	_ =	shalt  }
0x87: {  	_ =	shalt  }
.Lfunc_end0:
.L_simem_size_0:
called_computation_lowered:
.L_overlay_start_0:
0x88: {  	s2 =	sld [smem:$0x3FD9]  }
0x89: {  	s3 =	sld [smem:$0x3FFE];
	_ =	sdelay $0x1  }
0x8a: {  	s1 =	srdreg.scid  }
0x8b: {  	s0 =	sand.u32 $0x1, s1  }
0x8c: {  	s17 =	sshll.u32 s0, $0xA;
	s2 =	sadd.s32 s3, s2  }
0x8d: {  	s2 =	sadd.s32 s2, s17  }
0x8e: {  	[smem:$0x3FC6] =	sst s2  }
0x8f: {  	_ = 	snop  }
0x90: {  	s2 =	sld [smem:$0x3FD0];
	(tm) =	ssettm $0x1  }
0x91: {  	s18 =	sld [smem:$0x3FFB];
	_ =	sdelay $0x3  }
0x92: {  	_ =	strace s18  }
0x93: {  	s3 =	sld [smem:$0x3FFC];
	_ =	sdelay $0x3  }
0x94: {  	_ =	strace s3  }
0x95: {  	s3 =	sld [smem:$0x3FFD];
	_ =	sdelay $0x3  }
0x96: {  	_ =	strace s3  }
0x97: {  	_ =	strace $0x8FFFFFFF  }
0x98: {  	s19 =	sld [smem:$0x3FDB];
	_ =	sdelay $0x1  }
0x99: {  	s4 =	simm.s32 $_scs_section_size  }
0x9a: {  	s5 =	simm.s32 $_size__tile_overlayer_lowered;
	s6 =	simm.s32 $_tile_overlayer_lowered  }
0x9b: {  	s22 =	simm.s32 $0x1BFF;
	s21 =	sshll.u32 s6, $0x1;
	s3 =	sadd.s32 s4, s19  }
0x9c: {  	s7 =	simm.s32 $0x0;
	s20 =	sshll.u32 s5, $0x1;
	s5 =	sadd.s32 s21, s3  }
0x9d: {  	[timem:s7], [sflag:s22] =	dma.local [hbm:s5], s20  }
0x9e: {  	_ =	swait.ge [sflag:s22], s20  }
0x9f: {  	s4 =	ssub.s32 $0x0, s20;
	[sflag:s22] =	ssyncset.done $0x0  }
0xa0: {  	[sflag:s22] =	ssyncadd.s32 s4;
	_ =	sdelay $0x1  }
0xa1: {  	s23 =	simm.s32 $0x1B8B  }
0xa2: {  	_ =	swait.ge [sflag:s23], $0x1  }
0xa3: {  	[sflag:s23] =	ssyncset.done $0x0  }
0xa4: {  	s25 =	simm.s32 $0x1B8E;
	s24 =	sld [smem:$0x3FFE];
	[sflag:s23] =	ssyncadd.s32 $0xFFFFFFFF  }
0xa5: {  	s26 =	simm.s32 $execute0_lowered;
	[smem:$0x3FD2] =	sst s25  }
0xa6: {  	s5 =	sshll.u32 s26, $0x1;
	_ =	strace $0x80000046;
	[dreg:$0x1] =	wrdreg $0xFFFFFFFF  }
0xa7: {  	s28 =	simm.s32 $_size_execute0_lowered;
	s3 =	sadd.s32 s3, s5;
	[dreg:$0x0] =	wrdreg $0x0  }
0xa8: {  	s5 =	sshll.u32 s28, $0x1;
	[dreg:$0x2] =	wrdreg s3  }
0xa9: {  	[dreg:$0x3] =	wrdreg s5  }
0xaa: {  	[dreg:$0x4] =	wrdreg $0xC0  }
0xab: {  	_ =	task [dreg:s7], $0x5FFFF  }
0xac: {  	[dreg:$0x1] =	wrdreg $0xFFFFFFFF  }
0xad: {  	[dreg:$0x0] =	wrdreg $0x60  }
0xae: {  	[dreg:$0x2] =	wrdreg s24  }
0xaf: {  	[dreg:$0x3] =	wrdreg s2  }
0xb0: {  	[dreg:$0x4] =	wrdreg $0x9  }
0xb1: {  	_ =	task.clear_ibuf [dreg:s7], $0x5FFFF;
	_ =	strace $0x90000046  }
0xb2: {  	s29 =	simm.s32 $0x9;
	_ =	strace $0x80000048  }
0xb3: {  	_ =	swait.ge [sflag:s29], $0x1  }
0xb4: {  	[sflag:s29] =	ssyncadd.s32 $0xFFFFFFFF  }
0xb5: {  	_ =	strace $0x90000048  }
0xb6: {  	_ =	sfence  }
0xb7: {  	s30 =	sld [smem:$0x0];
	_ =	sdelay $0x2  }
0xb8: {  	s31 =	sshll.u32 s1, $0xD;
	s1 =	sshrl.u32 s1, $0x2  }
0xb9: {  	s3 =	sand.u32 $0x4000, s31;
	s1 =	sadd.s32 s1, s30  }
0xba: {  	s0 =	sor.u32 s3, s0;
	s1 =	sshll.u32 s1, $0x11  }
0xbb: {  	s0 =	sor.u32 s1, s0  }
0xbc: {  	s0 =	sadd.s32 $0x8F2B, s0  }
0xbd: {  	[sflag:s0] =	ssyncadd.remote.s32 $0x1  }
0xbe: {  	_ =	sfence.sel $0xFFFF  }
0xbf: {  	[dreg:$0x0] =	wrdreg $0xFFFFFFFF;
	(pc) =	sbr.abs _section_cstart, $3  }
0xc0: {  	[dreg:$0x1] =	wrdreg $0xFFFFFFFF  }
0xc1: {  	_ =	task.clear_ibuf [dreg:s7], $0x2FFFF;
	_ =	strace $0x9FFFFFFF  }
0xc2: {  	(tm) =	ssettm $0x7FFFFFFF  }
0xc3: {  	_ =	shalt  }
tec
execute0_lowered:
.L_overlay_start_1:
0x0: {  	(tag) =	ssettag $0x1  }
0x1: {  	s4 =	rddreg [dreg:$0x0]  }
0x2: {  	s2 =	rddreg [dreg:$0x1]  }
0x3: {  	s0 =	rddreg [dreg:$0x2]  }
0x4: {  	s5 =	srdreg.scid;
	s1 =	stileid.u32;
	s3 =	simm.s32 $0x0  }
0x5: {  	s15 =	simm.s32 $0x1;
	s16 =	simm.s32 $0xC80;
	s17 =	simm.s32 $0x3  }
0x6: {  	s18 =	simm.s32 $0x2;
	s19 =	simm.s32 $0xD480;
	s20 =	simm.s32 $0x4  }
0x7: {  	s5 =	sand.u32 $0x1, s5;
	s6 =	sshll.u32 s1, $0x1;
	s13 =	smul.u32 $0x32000, s1  }
0x8: {  	s21 =	simm.s32 $0x5;
	s6 =	sor.u32 s5, s6;
	s14 =	smul.u32 $0x19000, s5  }
0x9: {  	s22 =	simm.s32 $0x6;
	s23 =	simm.s32 $0x0;
	s7 =	smul.u32 $0x19000, s6  }
0xa: {  	[smem:$0x7FF] =	sst s3;
	s8 =	ssub.s32 $0x2, s5;
	s9 =	smul.u32 $0x64000, s6  }
0xb: {  	s11 =	sadd.s32 $0x600, s4;
	s26 =	sshrl.u32 s8, $0x1;
	s6 =	smul.u32 $0x320000, s6  }
0xc: {  	s12 =	sadd.s32 $0x64800, s4;
	_ =	strace $0x80000047;
	s10 =	ssub.s32 s8, s26  }
0xd: {  	s13 =	sadd.s32 s14, s13;
	s28 =	sshrl.u32 s7, $0x3;
	s29 =	sshrl.u32 s6, $0x3  }
0xe: {  	s6 =	sadd.s32 s12, s9;
	s9 =	smax.u32 s10, $0x1;
	s31 =	sadd.s32 $0x1900, s13  }
0xf: {  	s14 =	sadd.s32 $0x12C0, s13;
	s13 =	sshll.u32 s13, $0x2;
	s4 =	sadd.s32 s11, s28  }
0x10: {  	s30 =	sadd.s32 s12, s29;
	s10 =	sshrl.u32 s31, $0x3;
	s14 =	sshrl.u32 s14, $0x3  }
0x11: {  	s13 =	sadd.s32 s13, s12;
	s5 =	sadd.s32 $0xC8, s4;
	s7 =	sadd.s32 $0x190, s4  }
0x12: {  	s8 =	sadd.s32 $0x62700, s30;
	s10 =	sadd.s32 s10, s11;
	s11 =	sadd.s32 s14, s11  }
0x13: {  	s12 =	sadd.s32 $0x1900, s13;
	s13 =	sadd.s32 $0x3200, s13;
	s14 =	simm.s32 $0x640  }
.LBB2_1:
0x14: {  	[tilespmem:s3], [sflag:$0x1] =	stream.linear.gather [hbm4b:s4+s3], $0x640, $0x38;
	[tilespmem:$0x19C80] =	vst v63  }
0x15: {  	_ = 	snop  }
0x16: {  	[tilespmem:s14], [sflag:$0x2] =	stream.linear.gather [hbm4b:s5+s3], $0x640, $0x38;
	[tilespmem:$0x19C80] =	vst v63  }
0x17: {  	_ =	swait.ge [sflag:s15], $0x640  }
0x18: {  	[sflag:s15] =	ssyncset.done $0x0  }
0x19: {  	[sflag:s15] =	ssyncadd.s32 $0xFFFFF9C0  }
0x1a: {  	[tilespmem:s16], [sflag:$0x3] =	stream.indirect.gather [hbm4b:s2+s14], $0x20, s3, s14, $0xb8;
	[tilespmem:$0x19C80] =	vst v63  }
0x1b: {  	_ =	swait.ge [sflag:s17], $0xC800  }
0x1c: {  	[sflag:s17] =	ssyncset.done $0x0  }
0x1d: {  	[sflag:s17] =	ssyncadd.s32 $0xFFFF3800  }
0x1e: {  	[hbm4b:s6+s3] =	stream.linear.scatter [tilespmem:s16], [sflag:$0x5], $0xC800, $0x38;
	[tilespmem:$0x19C80] =	vst v63  }
0x1f: {  	_ = 	snop  }
0x20: {  	[tilespmem:s3], [sflag:$0x1] =	stream.linear.gather [hbm4b:s7+s3], $0x640, $0x38;
	[tilespmem:$0x19C80] =	vst v63  }
0x21: {  	_ =	swait.ge [sflag:s18], $0x640  }
0x22: {  	[sflag:s18] =	ssyncset.done $0x0  }
0x23: {  	[sflag:s18] =	ssyncadd.s32 $0xFFFFF9C0  }
0x24: {  	[tilespmem:s19], [sflag:$0x4] =	stream.indirect.gather [hbm4b:s2+s14], $0x20, s14, s14, $0xb8;
	[tilespmem:$0x19C80] =	vst v63  }
0x25: {  	_ =	swait.ge [sflag:s20], $0xC800  }
0x26: {  	[sflag:s20] =	ssyncset.done $0x0  }
0x27: {  	[sflag:s20] =	ssyncadd.s32 $0xFFFF3800  }
0x28: {  	[hbm4b:s12+s3] =	stream.linear.scatter [tilespmem:s19], [sflag:$0x6], $0xC800, $0x38;
	[tilespmem:$0x19C80] =	vst v63  }
0x29: {  	s24 =	sadd.s32 $0x0, s11  }
0x2a: {  	[tilespmem:s14], [sflag:$0x2] =	stream.linear.gather [hbm4b:s24+s3], $0x640, $0x38;
	[tilespmem:$0x19C80] =	vst v63  }
0x2b: {  	_ =	swait.ge [sflag:s15], $0x640  }
0x2c: {  	[sflag:s15] =	ssyncset.done $0x0  }
0x2d: {  	[sflag:s15] =	ssyncadd.s32 $0xFFFFF9C0  }
0x2e: {  	_ =	swait.ge [sflag:s21], $0xC800  }
0x2f: {  	[sflag:s21] =	ssyncset.done $0x0  }
0x30: {  	[sflag:s21] =	ssyncadd.s32 $0xFFFF3800  }
0x31: {  	[tilespmem:s16], [sflag:$0x3] =	stream.indirect.gather [hbm4b:s2+s14], $0x20, s3, s14, $0xb8;
	[tilespmem:$0x19C80] =	vst v63  }
0x32: {  	_ =	swait.ge [sflag:s17], $0xC800  }
0x33: {  	[sflag:s17] =	ssyncset.done $0x0  }
0x34: {  	[sflag:s17] =	ssyncadd.s32 $0xFFFF3800  }
0x35: {  	[hbm4b:s13+s3] =	stream.linear.scatter [tilespmem:s16], [sflag:$0x5], $0xC800, $0x38;
	[tilespmem:$0x19C80] =	vst v63  }
0x36: {  	s31 =	sadd.s32 $0x0, s10  }
0x37: {  	[tilespmem:s3], [sflag:$0x1] =	stream.linear.gather [hbm4b:s31+s3], $0x640, $0x38;
	[tilespmem:$0x19C80] =	vst v63  }
0x38: {  	_ =	swait.ge [sflag:s18], $0x640  }
0x39: {  	[sflag:s18] =	ssyncset.done $0x0  }
0x3a: {  	[sflag:s18] =	ssyncadd.s32 $0xFFFFF9C0  }
0x3b: {  	_ =	swait.ge [sflag:s22], $0xC800  }
0x3c: {  	s25 =	sadd.s32 $0x3200, s12;
	[sflag:s22] =	ssyncset.done $0x0  }
0x3d: {  	s26 =	sadd.s32 $0x3200, s13;
	s24 =	simm.s32 $0x190;
	[sflag:s22] =	ssyncadd.s32 $0xFFFF3800  }
.LBB2_2:
0x3e: {  	[tilespmem:s19], [sflag:$0x4] =	stream.indirect.gather [hbm4b:s2+s14], $0x20, s14, s14, $0xb8;
	[tilespmem:$0x19C80] =	vst v63  }
0x3f: {  	s28 =	smov.u32 s24  }
0x40: {  	p0 =	sne.s32 s24, $0x2EE0;
	s24 =	sadd.s32 $0x190, s24;
	_ =	swait.ge [sflag:s20], $0xC800  }
0x41: {  	[sflag:s20] =	ssyncset.done $0x0  }
0x42: {  	[sflag:s20] =	ssyncadd.s32 $0xFFFF3800  }
0x43: {  	[hbm4b:s25+s3] =	stream.linear.scatter [tilespmem:s19], [sflag:$0x6], $0xC800, $0x38;
	[tilespmem:$0x19C80] =	vst v63  }
0x44: {  	s29 =	sadd.s32 s28, s11  }
0x45: {  	[tilespmem:s14], [sflag:$0x2] =	stream.linear.gather [hbm4b:s29+s3], $0x640, $0x38;
	[tilespmem:$0x19C80] =	vst v63  }
0x46: {  	_ =	swait.ge [sflag:s15], $0x640  }
0x47: {  	[sflag:s15] =	ssyncset.done $0x0  }
0x48: {  	[sflag:s15] =	ssyncadd.s32 $0xFFFFF9C0  }
0x49: {  	_ =	swait.ge [sflag:s21], $0xC800  }
0x4a: {  	[sflag:s21] =	ssyncset.done $0x0  }
0x4b: {  	[sflag:s21] =	ssyncadd.s32 $0xFFFF3800  }
0x4c: {  	[tilespmem:s16], [sflag:$0x3] =	stream.indirect.gather [hbm4b:s2+s14], $0x20, s3, s14, $0xb8;
	[tilespmem:$0x19C80] =	vst v63  }
0x4d: {  	_ =	swait.ge [sflag:s17], $0xC800  }
0x4e: {  	[sflag:s17] =	ssyncset.done $0x0  }
0x4f: {  	[sflag:s17] =	ssyncadd.s32 $0xFFFF3800  }
0x50: {  	[hbm4b:s26+s3] =	stream.linear.scatter [tilespmem:s16], [sflag:$0x5], $0xC800, $0x38;
	[tilespmem:$0x19C80] =	vst v63  }
0x51: {  	s28 =	sadd.s32 s28, s10  }
0x52: {  	[tilespmem:s3], [sflag:$0x1] =	stream.linear.gather [hbm4b:s28+s3], $0x640, $0x38;
	[tilespmem:$0x19C80] =	vst v63  }
0x53: {  	_ =	swait.ge [sflag:s18], $0x640  }
.Ltmp0:
0x54: {  	[sflag:s18] =	ssyncset.done $0x0;
	(pc) =	sbr.rel @p0 .LBB2_2-.Ltmp0, $4  }
0x55: {  	[sflag:s18] =	ssyncadd.s32 $0xFFFFF9C0  }
0x56: {  	_ =	swait.ge [sflag:s22], $0xC800  }
0x57: {  	[sflag:s22] =	ssyncset.done $0x0  }
0x58: {  	s25 =	sadd.s32 $0x3200, s25;
	s26 =	sadd.s32 $0x3200, s26;
	[sflag:s22] =	ssyncadd.s32 $0xFFFF3800  }
0x59: {  	[tilespmem:s19], [sflag:$0x4] =	stream.indirect.gather [hbm4b:s2+s14], $0x20, s14, s14, $0xb8;
	[tilespmem:$0x19C80] =	vst v63  }
0x5a: {  	_ =	swait.ge [sflag:s20], $0xC800  }
0x5b: {  	[sflag:s20] =	ssyncset.done $0x0  }
0x5c: {  	[sflag:s20] =	ssyncadd.s32 $0xFFFF3800  }
0x5d: {  	[hbm4b:s8+s3] =	stream.linear.scatter [tilespmem:s19], [sflag:$0x6], $0xC800, $0x38;
	[tilespmem:$0x19C80] =	vst v63  }
0x5e: {  	_ =	swait.ge [sflag:s15], $0x640  }
0x5f: {  	[sflag:s15] =	ssyncset.done $0x0  }
0x60: {  	s23 =	sadd.s32 $0x1, s23;
	[sflag:s15] =	ssyncadd.s32 $0xFFFFF9C0  }
0x61: {  	p0 =	sne.s32 s23, s9;
	_ =	swait.ge [sflag:s21], $0xC800  }
.Ltmp1:
0x62: {  	[sflag:s21] =	ssyncset.done $0x0;
	(pc) =	sbr.rel @p0 .LBB2_1-.Ltmp1, $4  }
0x63: {  	[sflag:s21] =	ssyncadd.s32 $0xFFFF3800  }
0x64: {  	_ =	swait.ge [sflag:s22], $0xC800  }
0x65: {  	[sflag:s22] =	ssyncset.done $0x0  }
0x66: {  	[sflag:s22] =	ssyncadd.s32 $0xFFFF3800  }
0x67: {  	_ =	sfence.sel $0x180000  }
0x68: {  	[bflag:$0x0] =	sbarrier.arrive $0xFFFF  }
0x69: {  	p0 =	sne.s32 s1, $0x0;
	_ =	strace $0x90000047  }
0x6a: {  	s0 =	sadd.s32 @!p0 $0x100000, s0;
	[bflag:$0x2] =	sbarrier.arrive $0xFFFF  }
0x6b: {  	[sflag:s0] =	ssyncadd.tile.s32 @!p0 $0x1;
	_ =	shalt  }
.Lfunc_end2:
_tile_overlayer_lowered:
.L_overlay_start_2:
0x6c: {  	(tag) =	ssettag $0x2  }
0x6d: {  	s0 =	rddreg [dreg:$0x0];
	s2 =	stileid.u32  }
0x6e: {  	s1 =	rddreg [dreg:$0x1];
	p0 =	sne.s32 s2, $0x0  }
0x6f: {  	s3 =	rddreg [dreg:$0x2];
	[bflag:$0x3] =	sbarrier.arrive $0xFFFF;
	s2 =	simm.s32 @!p0 $0x1C07  }
0x70: {  	[timem:s3], [sflag:s2] =	dma.local @!p0 [hbm:s0], s1  }
0x71: {  	s0 =	simm.s32 @!p0 $0x7  }
0x72: {  	_ =	swait.ge @!p0 [sflag:s0], s1  }
0x73: {  	s1 =	ssub.s32 @!p0 $0x0, s1;
	[sflag:s0] =	ssyncset.done @!p0 $0x0  }
0x74: {  	[sflag:s0] =	ssyncadd.s32 @!p0 s1  }
0x75: {  	[bflag:$0x3] =	sbarrier.arrive $0xFFFF  }
0x76: {  	_ =	shalt  }

</sc_bundles>
